<compile_context>
chip_gen: v7x
topology: tpu7x:2x2x1
jax: 0.10.2.dev20260603
libtpu: 0.0.44.dev20260713+nightly
codegen_flags: <defaults>
</compile_context>

<pallas_src>
import functools

import jax
import jax.numpy as jnp
from jax import lax
from jax.experimental import pallas as pl
from jax.experimental.pallas import tpu as pltpu
from jax.experimental.pallas import tpu_sc as plsc

_N = 320000
_F = 128
_S = 512
_EPS = 0.001

_B = 6400
_NB = _N // _B
_W = 32
_SPAD = 640

_NC = 2
_NS = 16
_NWORK = _NC * _NS
_RPW = _N // _NWORK
_C = 400
_NCH = _RPW // _C
_SUB = 80
_NSUB = _C // _SUB
_TROWS = _SPAD // _NS


def _sc_stats(x, seg):
    mesh = plsc.VectorSubcoreMesh(core_axis_name="c", subcore_axis_name="s")
    kernel_fn = pl.kernel(
        _sc_stats_kernel,
        out_type=[
            jax.ShapeDtypeStruct((_NC, _SPAD, _F), jnp.float32),
            jax.ShapeDtypeStruct((_NC, _SPAD, _F), jnp.float32),
            jax.ShapeDtypeStruct((_NC, _SPAD, _F), jnp.float32),
        ],
        mesh=mesh,
        scratch_types=[
            pltpu.VMEM((_C, _F), jnp.float32),
            pltpu.VMEM((_SUB,), jnp.int32),
            pltpu.VMEM((_SUB, _F), jnp.float32),
            pltpu.VMEM((_TROWS, _F), jnp.float32),
            pltpu.VMEM_SHARED((_SPAD, _F), jnp.float32),
            pltpu.VMEM_SHARED((_SPAD, _F), jnp.float32),
            pltpu.VMEM_SHARED((_SPAD, _F), jnp.float32),
        ],
    )
    return kernel_fn(x, seg)


def _sc_stats_kernel(x_hbm, seg_hbm, sum_hbm, sq_hbm, cnt_hbm,
                     xbuf, idxbuf, onesbuf, zbuf,
                     sum_sh, sq_sh, cnt_sh):
    cid = lax.axis_index("c")
    sid = lax.axis_index("s")
    wid = cid * _NS + sid
    row0 = wid * _RPW

    @pl.loop(0, _TROWS)
    def _zrow(r):
        for f in range(_F // 16):
            zbuf[r, pl.ds(f * 16, 16)] = jnp.zeros((16,), jnp.float32)

    @pl.loop(0, _SUB)
    def _orow(r):
        for f in range(_F // 16):
            onesbuf[r, pl.ds(f * 16, 16)] = jnp.ones((16,), jnp.float32)

    t0 = sid * _TROWS
    pltpu.sync_copy(zbuf, sum_sh.at[pl.ds(t0, _TROWS)])
    pltpu.sync_copy(zbuf, sq_sh.at[pl.ds(t0, _TROWS)])
    pltpu.sync_copy(zbuf, cnt_sh.at[pl.ds(t0, _TROWS)])
    plsc.subcore_barrier()

    @pl.loop(0, _NCH)
    def _chunk(k):
        base = row0 + k * _C
        pltpu.sync_copy(x_hbm.at[pl.ds(base, _C)], xbuf)

        for j in range(_NSUB):
            pltpu.sync_copy(seg_hbm.at[pl.ds(base + j * _SUB, _SUB)], idxbuf)
            pltpu.sync_copy(xbuf.at[pl.ds(j * _SUB, _SUB)],
                            sum_sh.at[idxbuf], add=True)
            pltpu.sync_copy(onesbuf, cnt_sh.at[idxbuf], add=True)

        @pl.loop(0, _C)
        def _sqrow(r):
            for f in range(_F // 16):
                v = xbuf[r, pl.ds(f * 16, 16)]
                xbuf[r, pl.ds(f * 16, 16)] = v * v

        for j in range(_NSUB):
            pltpu.sync_copy(seg_hbm.at[pl.ds(base + j * _SUB, _SUB)], idxbuf)
            pltpu.sync_copy(xbuf.at[pl.ds(j * _SUB, _SUB)],
                            sq_sh.at[idxbuf], add=True)

    plsc.subcore_barrier()

    pltpu.sync_copy(sum_sh.at[pl.ds(t0, _TROWS)],
                    sum_hbm.at[cid, pl.ds(t0, _TROWS)])
    pltpu.sync_copy(sq_sh.at[pl.ds(t0, _TROWS)],
                    sq_hbm.at[cid, pl.ds(t0, _TROWS)])
    pltpu.sync_copy(cnt_sh.at[pl.ds(t0, _TROWS)],
                    cnt_hbm.at[cid, pl.ds(t0, _TROWS)])


def _finalize_kernel(sum_ref, sq_ref, cnt_ref, table_ref):
    sums = sum_ref[0] + sum_ref[1]
    sqs = sq_ref[0] + sq_ref[1]
    cnt = (cnt_ref[0] + cnt_ref[1])[:, 0:1]
    mean = sums / jnp.maximum(cnt, 1.0)
    ssq = (jnp.sum(sqs, axis=1, keepdims=True)
           - cnt * jnp.sum(mean * mean, axis=1, keepdims=True))
    var = ssq / (cnt * jnp.float32(_F) - 1.0)
    invstd = lax.rsqrt(var + _EPS)
    table_ref[:, 0:_F] = mean.astype(jnp.bfloat16)
    table_ref[:, _F:2 * _F] = jnp.broadcast_to(
        invstd, (_SPAD, _F)).astype(jnp.bfloat16)


def _norm_kernel(x_ref, seg_ref, table_ref, out_ref):
    seg = seg_ref[0, 0, :]
    s0 = (seg[0] // 16) * 16
    smax = seg[_B - 1]
    x = x_ref[...]

    narrow = (smax - s0) < _W

    @pl.when(narrow)
    def _narrow():
        win = table_ref[pl.ds(s0, _W), :]
        col = lax.broadcasted_iota(jnp.int32, (_B, _W), 1)
        oh = (seg[:, None] - s0 == col).astype(
            jnp.float32).astype(jnp.bfloat16)
        rows = lax.dot_general(
            oh, win, (((1,), (0,)), ((), ())),
            preferred_element_type=jnp.float32)
        out_ref[...] = (x - rows[:, 0:_F]) * rows[:, _F:2 * _F]

    @pl.when(jnp.logical_not(narrow))
    def _wide():
        win = table_ref[pl.ds(0, _S), :]
        col = lax.broadcasted_iota(jnp.int32, (_B, _S), 1)
        oh = (seg[:, None] == col).astype(
            jnp.float32).astype(jnp.bfloat16)
        rows = lax.dot_general(
            oh, win, (((1,), (0,)), ((), ())),
            preferred_element_type=jnp.float32)
        out_ref[...] = (x - rows[:, 0:_F]) * rows[:, _F:2 * _F]


def kernel(x, i):
    seg = i.astype(jnp.int32)
    seg3 = seg.reshape(_NB, 1, _B)

    sums, sqs, cnts = _sc_stats(x, seg)

    table = pl.pallas_call(
        _finalize_kernel,
        in_specs=[
            pl.BlockSpec((_NC, _SPAD, _F), lambda: (0, 0, 0)),
            pl.BlockSpec((_NC, _SPAD, _F), lambda: (0, 0, 0)),
            pl.BlockSpec((_NC, _SPAD, _F), lambda: (0, 0, 0)),
        ],
        out_specs=pl.BlockSpec((_SPAD, 2 * _F), lambda: (0, 0)),
        out_shape=jax.ShapeDtypeStruct((_SPAD, 2 * _F), jnp.bfloat16),
    )(sums, sqs, cnts)

    out = pl.pallas_call(
        _norm_kernel,
        grid=(_NB,),
        in_specs=[
            pl.BlockSpec((_B, _F), lambda b: (b, 0)),
            pl.BlockSpec((1, 1, _B), lambda b: (b, 0, 0)),
            pl.BlockSpec((_SPAD, 2 * _F), lambda b: (0, 0)),
        ],
        out_specs=pl.BlockSpec((_B, _F), lambda b: (b, 0)),
        out_shape=jax.ShapeDtypeStruct((_N, _F), jnp.float32),
    )(x, seg3, table)

    return out

# --- scband reference (transcript-rebuilt; emitter-appended) ---
"""Pipeline reference for scband-graph-norm-35433480192469 (READ-ONLY COPY).

The authoritative reference and input builder live on the scoring server;
editing this copy changes nothing except your own understanding.
"""

import jax, jax.numpy as jnp
import numpy as np

NUM_SEGMENTS = 512
EPSILON = 0.001

def setup_inputs(seed: int = 0) -> dict:
    key = jax.random.key(seed)
    k1, k2 = jax.random.split(key)
    x = jax.random.normal(k1, (320000, 128), dtype=jnp.float32)
    i = jnp.sort(jax.random.randint(k2, (320000,), 0, NUM_SEGMENTS, dtype=jnp.int64))
    return {"x": x, "i": i}

def reference(x, i):
    n_dim = x.shape[-1]
    seg = i.astype(jnp.int32)
    ones = jnp.ones((x.shape[0],), dtype=x.dtype)
    counts = jax.ops.segment_sum(ones, seg, num_segments=NUM_SEGMENTS)
    seg_sum = jax.ops.segment_sum(x, seg, num_segments=NUM_SEGMENTS)
    seg_mean = seg_sum / jnp.maximum(counts, 1.0)[:, None]
    xc = x - seg_mean[seg]
    ssq = jnp.sum(jax.ops.segment_sum(jnp.square(xc), seg, num_segments=NUM_SEGMENTS), axis=-1, keepdims=True)
    n = counts * jnp.asarray(n_dim, dtype=x.dtype)
    var = ssq / (n[:, None] - 1.0)
    out = xc / jnp.sqrt(var + EPSILON)[seg]
    return out

if __name__ == "__main__":
    import jax
    _d = setup_inputs()
    print(jax.jit(kernel)(*tuple(_d.values())))

</pallas_src>

<mosaic_0001>
#map = affine_map<(d0, d1) -> (0, 0)>
#map1 = affine_map<(d0, d1) -> (0)>
#map2 = affine_map<(d0, d1) -> (0, 0, 0)>
module attributes {stable_mosaic.version = 14 : i64} {
  func.func @_sc_stats_kernel(%arg0: i32, %arg1: i32, %arg2: memref<320000x128xf32, #tpu.memory_space<hbm>>, %arg3: memref<320000xi32, #tpu.memory_space<hbm>>, %arg4: memref<2x640x128xf32, #tpu.memory_space<hbm>>, %arg5: memref<2x640x128xf32, #tpu.memory_space<hbm>>, %arg6: memref<2x640x128xf32, #tpu.memory_space<hbm>>, %arg7: memref<400x128xf32, #tpu.memory_space<vmem>>, %arg8: memref<80xi32, #tpu.memory_space<vmem>>, %arg9: memref<80x128xf32, #tpu.memory_space<vmem>>, %arg10: memref<40x128xf32, #tpu.memory_space<vmem>>, %arg11: memref<640x128xf32, #tpu.memory_space<vmem_shared>>, %arg12: memref<640x128xf32, #tpu.memory_space<vmem_shared>>, %arg13: memref<640x128xf32, #tpu.memory_space<vmem_shared>>) attributes {dimension_semantics = [#tpu.dimension_semantics<core_parallel>, #tpu.dimension_semantics<subcore_parallel>], iteration_bounds = array<i64: 2, 16>, scalar_prefetch = 0 : i64, scratch_operands = 7 : i64, tpu.core_type = #tpu.core_type<sc_vector_subcore>, window_params = [{transform_indices = #map}, {transform_indices = #map1}, {transform_indices = #map2}, {transform_indices = #map2}, {transform_indices = #map2}]} {
    %mul3A = arith.constant 16 : i32
    %mul3A_0 = arith.muli %arg0, %mul3A : i32
    %add3A = arith.addi %mul3A_0, %arg1 : i32
    %mul3A_1 = arith.constant 10000 : i32
    %mul3A_2 = arith.muli %add3A, %mul3A_1 : i32
    %scan3A = arith.constant 0 : i32
    %scan3A_3 = arith.constant 40 : i32
    %scan3A_4 = arith.addi %scan3A, %scan3A_3 : i32
    %scan3A_5 = arith.constant 1 : i32
    scf.for %scan3A_20 = %scan3A to %scan3A_4 step %scan3A_5  : i32 {
      %mul3A_21 = arith.constant 1 : i32
      %mul3A_22 = arith.muli %scan3A_20, %mul3A_21 : i32
      %add3A_23 = arith.constant 0 : i32
      %add3A_24 = arith.addi %add3A_23, %mul3A_22 : i32
      %broadcast_in_dim3A = arith.constant 0.000000e+00 : f32
      %broadcast_in_dim3A_25 = vector.broadcast %broadcast_in_dim3A : f32 to vector<16xf32>
      %swap3A = arith.index_cast %add3A_24 : i32 to index
      %swap3A_26 = arith.constant 0 : index
      %swap3A_27 = tpu.vector_load %arg10[%swap3A, %swap3A_26] {strides = array<i32>} : memref<40x128xf32, #tpu.memory_space<vmem>>, vector<1x16xf32>,
      %swap3A_28 = vector.shape_cast %swap3A_27 : vector<1x16xf32> to vector<16xf32>
      %swap3A_29 = vector.shape_cast %broadcast_in_dim3A_25 : vector<16xf32> to vector<1x16xf32>
      tpu.vector_store %arg10[%swap3A, %swap3A_26], %swap3A_29 {strides = array<i32>} : memref<40x128xf32, #tpu.memory_space<vmem>>, vector<1x16xf32>,
      %broadcast_in_dim3A_30 = arith.constant 0.000000e+00 : f32
      %broadcast_in_dim3A_31 = vector.broadcast %broadcast_in_dim3A_30 : f32 to vector<16xf32>
      %swap3A_32 = arith.index_cast %add3A_24 : i32 to index
      %swap3A_33 = arith.constant 16 : index
      %swap3A_34 = tpu.vector_load %arg10[%swap3A_32, %swap3A_33] {strides = array<i32>} : memref<40x128xf32, #tpu.memory_space<vmem>>, vector<1x16xf32>,
      %swap3A_35 = vector.shape_cast %swap3A_34 : vector<1x16xf32> to vector<16xf32>
      %swap3A_36 = vector.shape_cast %broadcast_in_dim3A_31 : vector<16xf32> to vector<1x16xf32>
      tpu.vector_store %arg10[%swap3A_32, %swap3A_33], %swap3A_36 {strides = array<i32>} : memref<40x128xf32, #tpu.memory_space<vmem>>, vector<1x16xf32>,
      %broadcast_in_dim3A_37 = arith.constant 0.000000e+00 : f32
      %broadcast_in_dim3A_38 = vector.broadcast %broadcast_in_dim3A_37 : f32 to vector<16xf32>
      %swap3A_39 = arith.index_cast %add3A_24 : i32 to index
      %swap3A_40 = arith.constant 32 : index
      %swap3A_41 = tpu.vector_load %arg10[%swap3A_39, %swap3A_40] {strides = array<i32>} : memref<40x128xf32, #tpu.memory_space<vmem>>, vector<1x16xf32>,
      %swap3A_42 = vector.shape_cast %swap3A_41 : vector<1x16xf32> to vector<16xf32>
      %swap3A_43 = vector.shape_cast %broadcast_in_dim3A_38 : vector<16xf32> to vector<1x16xf32>
      tpu.vector_store %arg10[%swap3A_39, %swap3A_40], %swap3A_43 {strides = array<i32>} : memref<40x128xf32, #tpu.memory_space<vmem>>, vector<1x16xf32>,
      %broadcast_in_dim3A_44 = arith.constant 0.000000e+00 : f32
      %broadcast_in_dim3A_45 = vector.broadcast %broadcast_in_dim3A_44 : f32 to vector<16xf32>
      %swap3A_46 = arith.index_cast %add3A_24 : i32 to index
      %swap3A_47 = arith.constant 48 : index
      %swap3A_48 = tpu.vector_load %arg10[%swap3A_46, %swap3A_47] {strides = array<i32>} : memref<40x128xf32, #tpu.memory_space<vmem>>, vector<1x16xf32>,
      %swap3A_49 = vector.shape_cast %swap3A_48 : vector<1x16xf32> to vector<16xf32>
      %swap3A_50 = vector.shape_cast %broadcast_in_dim3A_45 : vector<16xf32> to vector<1x16xf32>
      tpu.vector_store %arg10[%swap3A_46, %swap3A_47], %swap3A_50 {strides = array<i32>} : memref<40x128xf32, #tpu.memory_space<vmem>>, vector<1x16xf32>,
      %broadcast_in_dim3A_51 = arith.constant 0.000000e+00 : f32
      %broadcast_in_dim3A_52 = vector.broadcast %broadcast_in_dim3A_51 : f32 to vector<16xf32>
      %swap3A_53 = arith.index_cast %add3A_24 : i32 to index
      %swap3A_54 = arith.constant 64 : index
      %swap3A_55 = tpu.vector_load %arg10[%swap3A_53, %swap3A_54] {strides = array<i32>} : memref<40x128xf32, #tpu.memory_space<vmem>>, vector<1x16xf32>,
      %swap3A_56 = vector.shape_cast %swap3A_55 : vector<1x16xf32> to vector<16xf32>
      %swap3A_57 = vector.shape_cast %broadcast_in_dim3A_52 : vector<16xf32> to vector<1x16xf32>
      tpu.vector_store %arg10[%swap3A_53, %swap3A_54], %swap3A_57 {strides = array<i32>} : memref<40x128xf32, #tpu.memory_space<vmem>>, vector<1x16xf32>,
      %broadcast_in_dim3A_58 = arith.constant 0.000000e+00 : f32
      %broadcast_in_dim3A_59 = vector.broadcast %broadcast_in_dim3A_58 : f32 to vector<16xf32>
      %swap3A_60 = arith.index_cast %add3A_24 : i32 to index
      %swap3A_61 = arith.constant 80 : index
      %swap3A_62 = tpu.vector_load %arg10[%swap3A_60, %swap3A_61] {strides = array<i32>} : memref<40x128xf32, #tpu.memory_space<vmem>>, vector<1x16xf32>,
      %swap3A_63 = vector.shape_cast %swap3A_62 : vector<1x16xf32> to vector<16xf32>
      %swap3A_64 = vector.shape_cast %broadcast_in_dim3A_59 : vector<16xf32> to vector<1x16xf32>
      tpu.vector_store %arg10[%swap3A_60, %swap3A_61], %swap3A_64 {strides = array<i32>} : memref<40x128xf32, #tpu.memory_space<vmem>>, vector<1x16xf32>,
      %broadcast_in_dim3A_65 = arith.constant 0.000000e+00 : f32
      %broadcast_in_dim3A_66 = vector.broadcast %broadcast_in_dim3A_65 : f32 to vector<16xf32>
      %swap3A_67 = arith.index_cast %add3A_24 : i32 to index
      %swap3A_68 = arith.constant 96 : index
      %swap3A_69 = tpu.vector_load %arg10[%swap3A_67, %swap3A_68] {strides = array<i32>} : memref<40x128xf32, #tpu.memory_space<vmem>>, vector<1x16xf32>,
      %swap3A_70 = vector.shape_cast %swap3A_69 : vector<1x16xf32> to vector<16xf32>
      %swap3A_71 = vector.shape_cast %broadcast_in_dim3A_66 : vector<16xf32> to vector<1x16xf32>
      tpu.vector_store %arg10[%swap3A_67, %swap3A_68], %swap3A_71 {strides = array<i32>} : memref<40x128xf32, #tpu.memory_space<vmem>>, vector<1x16xf32>,
      %broadcast_in_dim3A_72 = arith.constant 0.000000e+00 : f32
      %broadcast_in_dim3A_73 = vector.broadcast %broadcast_in_dim3A_72 : f32 to vector<16xf32>
      %swap3A_74 = arith.index_cast %add3A_24 : i32 to index
      %swap3A_75 = arith.constant 112 : index
      %swap3A_76 = tpu.vector_load %arg10[%swap3A_74, %swap3A_75] {strides = array<i32>} : memref<40x128xf32, #tpu.memory_space<vmem>>, vector<1x16xf32>,
      %swap3A_77 = vector.shape_cast %swap3A_76 : vector<1x16xf32> to vector<16xf32>
      %swap3A_78 = vector.shape_cast %broadcast_in_dim3A_73 : vector<16xf32> to vector<1x16xf32>
      tpu.vector_store %arg10[%swap3A_74, %swap3A_75], %swap3A_78 {strides = array<i32>} : memref<40x128xf32, #tpu.memory_space<vmem>>, vector<1x16xf32>,
    }
    %scan3A_6 = arith.constant 40 : i32
    %scan3A_7 = arith.constant 0 : i32
    %scan3A_8 = arith.constant 80 : i32
    %scan3A_9 = arith.addi %scan3A_7, %scan3A_8 : i32
    %scan3A_10 = arith.constant 1 : i32
    scf.for %scan3A_20 = %scan3A_7 to %scan3A_9 step %scan3A_10  : i32 {
      %mul3A_21 = arith.constant 1 : i32
      %mul3A_22 = arith.muli %scan3A_20, %mul3A_21 : i32
      %add3A_23 = arith.constant 0 : i32
      %add3A_24 = arith.addi %add3A_23, %mul3A_22 : i32
      %broadcast_in_dim3A = arith.constant 1.000000e+00 : f32
      %broadcast_in_dim3A_25 = vector.broadcast %broadcast_in_dim3A : f32 to vector<16xf32>
      %swap3A = arith.index_cast %add3A_24 : i32 to index
      %swap3A_26 = arith.constant 0 : index
      %swap3A_27 = tpu.vector_load %arg9[%swap3A, %swap3A_26] {strides = array<i32>} : memref<80x128xf32, #tpu.memory_space<vmem>>, vector<1x16xf32>,
      %swap3A_28 = vector.shape_cast %swap3A_27 : vector<1x16xf32> to vector<16xf32>
      %swap3A_29 = vector.shape_cast %broadcast_in_dim3A_25 : vector<16xf32> to vector<1x16xf32>
      tpu.vector_store %arg9[%swap3A, %swap3A_26], %swap3A_29 {strides = array<i32>} : memref<80x128xf32, #tpu.memory_space<vmem>>, vector<1x16xf32>,
      %broadcast_in_dim3A_30 = arith.constant 1.000000e+00 : f32
      %broadcast_in_dim3A_31 = vector.broadcast %broadcast_in_dim3A_30 : f32 to vector<16xf32>
      %swap3A_32 = arith.index_cast %add3A_24 : i32 to index
      %swap3A_33 = arith.constant 16 : index
      %swap3A_34 = tpu.vector_load %arg9[%swap3A_32, %swap3A_33] {strides = array<i32>} : memref<80x128xf32, #tpu.memory_space<vmem>>, vector<1x16xf32>,
      %swap3A_35 = vector.shape_cast %swap3A_34 : vector<1x16xf32> to vector<16xf32>
      %swap3A_36 = vector.shape_cast %broadcast_in_dim3A_31 : vector<16xf32> to vector<1x16xf32>
      tpu.vector_store %arg9[%swap3A_32, %swap3A_33], %swap3A_36 {strides = array<i32>} : memref<80x128xf32, #tpu.memory_space<vmem>>, vector<1x16xf32>,
      %broadcast_in_dim3A_37 = arith.constant 1.000000e+00 : f32
      %broadcast_in_dim3A_38 = vector.broadcast %broadcast_in_dim3A_37 : f32 to vector<16xf32>
      %swap3A_39 = arith.index_cast %add3A_24 : i32 to index
      %swap3A_40 = arith.constant 32 : index
      %swap3A_41 = tpu.vector_load %arg9[%swap3A_39, %swap3A_40] {strides = array<i32>} : memref<80x128xf32, #tpu.memory_space<vmem>>, vector<1x16xf32>,
      %swap3A_42 = vector.shape_cast %swap3A_41 : vector<1x16xf32> to vector<16xf32>
      %swap3A_43 = vector.shape_cast %broadcast_in_dim3A_38 : vector<16xf32> to vector<1x16xf32>
      tpu.vector_store %arg9[%swap3A_39, %swap3A_40], %swap3A_43 {strides = array<i32>} : memref<80x128xf32, #tpu.memory_space<vmem>>, vector<1x16xf32>,
      %broadcast_in_dim3A_44 = arith.constant 1.000000e+00 : f32
      %broadcast_in_dim3A_45 = vector.broadcast %broadcast_in_dim3A_44 : f32 to vector<16xf32>
      %swap3A_46 = arith.index_cast %add3A_24 : i32 to index
      %swap3A_47 = arith.constant 48 : index
      %swap3A_48 = tpu.vector_load %arg9[%swap3A_46, %swap3A_47] {strides = array<i32>} : memref<80x128xf32, #tpu.memory_space<vmem>>, vector<1x16xf32>,
      %swap3A_49 = vector.shape_cast %swap3A_48 : vector<1x16xf32> to vector<16xf32>
      %swap3A_50 = vector.shape_cast %broadcast_in_dim3A_45 : vector<16xf32> to vector<1x16xf32>
      tpu.vector_store %arg9[%swap3A_46, %swap3A_47], %swap3A_50 {strides = array<i32>} : memref<80x128xf32, #tpu.memory_space<vmem>>, vector<1x16xf32>,
      %broadcast_in_dim3A_51 = arith.constant 1.000000e+00 : f32
      %broadcast_in_dim3A_52 = vector.broadcast %broadcast_in_dim3A_51 : f32 to vector<16xf32>
      %swap3A_53 = arith.index_cast %add3A_24 : i32 to index
      %swap3A_54 = arith.constant 64 : index
      %swap3A_55 = tpu.vector_load %arg9[%swap3A_53, %swap3A_54] {strides = array<i32>} : memref<80x128xf32, #tpu.memory_space<vmem>>, vector<1x16xf32>,
      %swap3A_56 = vector.shape_cast %swap3A_55 : vector<1x16xf32> to vector<16xf32>
      %swap3A_57 = vector.shape_cast %broadcast_in_dim3A_52 : vector<16xf32> to vector<1x16xf32>
      tpu.vector_store %arg9[%swap3A_53, %swap3A_54], %swap3A_57 {strides = array<i32>} : memref<80x128xf32, #tpu.memory_space<vmem>>, vector<1x16xf32>,
      %broadcast_in_dim3A_58 = arith.constant 1.000000e+00 : f32
      %broadcast_in_dim3A_59 = vector.broadcast %broadcast_in_dim3A_58 : f32 to vector<16xf32>
      %swap3A_60 = arith.index_cast %add3A_24 : i32 to index
      %swap3A_61 = arith.constant 80 : index
      %swap3A_62 = tpu.vector_load %arg9[%swap3A_60, %swap3A_61] {strides = array<i32>} : memref<80x128xf32, #tpu.memory_space<vmem>>, vector<1x16xf32>,
      %swap3A_63 = vector.shape_cast %swap3A_62 : vector<1x16xf32> to vector<16xf32>
      %swap3A_64 = vector.shape_cast %broadcast_in_dim3A_59 : vector<16xf32> to vector<1x16xf32>
      tpu.vector_store %arg9[%swap3A_60, %swap3A_61], %swap3A_64 {strides = array<i32>} : memref<80x128xf32, #tpu.memory_space<vmem>>, vector<1x16xf32>,
      %broadcast_in_dim3A_65 = arith.constant 1.000000e+00 : f32
      %broadcast_in_dim3A_66 = vector.broadcast %broadcast_in_dim3A_65 : f32 to vector<16xf32>
      %swap3A_67 = arith.index_cast %add3A_24 : i32 to index
      %swap3A_68 = arith.constant 96 : index
      %swap3A_69 = tpu.vector_load %arg9[%swap3A_67, %swap3A_68] {strides = array<i32>} : memref<80x128xf32, #tpu.memory_space<vmem>>, vector<1x16xf32>,
      %swap3A_70 = vector.shape_cast %swap3A_69 : vector<1x16xf32> to vector<16xf32>
      %swap3A_71 = vector.shape_cast %broadcast_in_dim3A_66 : vector<16xf32> to vector<1x16xf32>
      tpu.vector_store %arg9[%swap3A_67, %swap3A_68], %swap3A_71 {strides = array<i32>} : memref<80x128xf32, #tpu.memory_space<vmem>>, vector<1x16xf32>,
      %broadcast_in_dim3A_72 = arith.constant 1.000000e+00 : f32
      %broadcast_in_dim3A_73 = vector.broadcast %broadcast_in_dim3A_72 : f32 to vector<16xf32>
      %swap3A_74 = arith.index_cast %add3A_24 : i32 to index
      %swap3A_75 = arith.constant 112 : index
      %swap3A_76 = tpu.vector_load %arg9[%swap3A_74, %swap3A_75] {strides = array<i32>} : memref<80x128xf32, #tpu.memory_space<vmem>>, vector<1x16xf32>,
      %swap3A_77 = vector.shape_cast %swap3A_76 : vector<1x16xf32> to vector<16xf32>
      %swap3A_78 = vector.shape_cast %broadcast_in_dim3A_73 : vector<16xf32> to vector<1x16xf32>
      tpu.vector_store %arg9[%swap3A_74, %swap3A_75], %swap3A_78 {strides = array<i32>} : memref<80x128xf32, #tpu.memory_space<vmem>>, vector<1x16xf32>,
    }
    %scan3A_11 = arith.constant 80 : i32
    %mul3A_12 = arith.constant 40 : i32
    %mul3A_13 = arith.muli %arg1, %mul3A_12 : i32
    "tpu.region"() ({
      %run_scoped3A = tpu.sem_alloc : memref<!tpu.dma_semaphore, #tpu.memory_space<semaphore_mem>>
      %dma_start3A = arith.constant 0 : i32
      %dma_start3A_20 = tpu.memref_slice %arg11[%mul3A_13, %dma_start3A] : memref<640x128xf32, #tpu.memory_space<vmem_shared>> -> memref<40x128xf32, #tpu.memory_space<vmem_shared>>
      %dma_start3A_21 = arith.constant 0 : i32
      %dma_start3A_22 = tpu.memref_slice %arg11[%mul3A_13, %dma_start3A_21] : memref<640x128xf32, #tpu.memory_space<vmem_shared>> -> memref<40x128xf32, #tpu.memory_space<vmem_shared>>
      tpu.enqueue_dma source(%arg10 : memref<40x128xf32, #tpu.memory_space<vmem>>) target(%dma_start3A_22 : memref<40x128xf32, #tpu.memory_space<vmem_shared>>) target_semaphore(%run_scoped3A : memref<!tpu.dma_semaphore, #tpu.memory_space<semaphore_mem>>)
      %dma_wait3A = arith.constant 0 : i32
      %dma_wait3A_23 = tpu.memref_slice %arg11[%mul3A_13, %dma_wait3A] : memref<640x128xf32, #tpu.memory_space<vmem_shared>> -> memref<40x128xf32, #tpu.memory_space<vmem_shared>>
      %dma_wait3A_24 = arith.constant 0 : i32
      %dma_wait3A_25 = tpu.memref_slice %arg11[%mul3A_13, %dma_wait3A_24] : memref<640x128xf32, #tpu.memory_space<vmem_shared>> -> memref<40x128xf32, #tpu.memory_space<vmem_shared>>
      tpu.wait_dma2 semaphore(%run_scoped3A : memref<!tpu.dma_semaphore, #tpu.memory_space<semaphore_mem>>) src(%arg10 : memref<40x128xf32, #tpu.memory_space<vmem>>) dst(%dma_wait3A_25 : memref<40x128xf32, #tpu.memory_space<vmem_shared>>)
      tpu.yield
    }) : () -> ()
    "tpu.region"() ({
      %run_scoped3A = tpu.sem_alloc : memref<!tpu.dma_semaphore, #tpu.memory_space<semaphore_mem>>
      %dma_start3A = arith.constant 0 : i32
      %dma_start3A_20 = tpu.memref_slice %arg12[%mul3A_13, %dma_start3A] : memref<640x128xf32, #tpu.memory_space<vmem_shared>> -> memref<40x128xf32, #tpu.memory_space<vmem_shared>>
      %dma_start3A_21 = arith.constant 0 : i32
      %dma_start3A_22 = tpu.memref_slice %arg12[%mul3A_13, %dma_start3A_21] : memref<640x128xf32, #tpu.memory_space<vmem_shared>> -> memref<40x128xf32, #tpu.memory_space<vmem_shared>>
      tpu.enqueue_dma source(%arg10 : memref<40x128xf32, #tpu.memory_space<vmem>>) target(%dma_start3A_22 : memref<40x128xf32, #tpu.memory_space<vmem_shared>>) target_semaphore(%run_scoped3A : memref<!tpu.dma_semaphore, #tpu.memory_space<semaphore_mem>>)
      %dma_wait3A = arith.constant 0 : i32
      %dma_wait3A_23 = tpu.memref_slice %arg12[%mul3A_13, %dma_wait3A] : memref<640x128xf32, #tpu.memory_space<vmem_shared>> -> memref<40x128xf32, #tpu.memory_space<vmem_shared>>
      %dma_wait3A_24 = arith.constant 0 : i32
      %dma_wait3A_25 = tpu.memref_slice %arg12[%mul3A_13, %dma_wait3A_24] : memref<640x128xf32, #tpu.memory_space<vmem_shared>> -> memref<40x128xf32, #tpu.memory_space<vmem_shared>>
      tpu.wait_dma2 semaphore(%run_scoped3A : memref<!tpu.dma_semaphore, #tpu.memory_space<semaphore_mem>>) src(%arg10 : memref<40x128xf32, #tpu.memory_space<vmem>>) dst(%dma_wait3A_25 : memref<40x128xf32, #tpu.memory_space<vmem_shared>>)
      tpu.yield
    }) : () -> ()
    "tpu.region"() ({
      %run_scoped3A = tpu.sem_alloc : memref<!tpu.dma_semaphore, #tpu.memory_space<semaphore_mem>>
      %dma_start3A = arith.constant 0 : i32
      %dma_start3A_20 = tpu.memref_slice %arg13[%mul3A_13, %dma_start3A] : memref<640x128xf32, #tpu.memory_space<vmem_shared>> -> memref<40x128xf32, #tpu.memory_space<vmem_shared>>
      %dma_start3A_21 = arith.constant 0 : i32
      %dma_start3A_22 = tpu.memref_slice %arg13[%mul3A_13, %dma_start3A_21] : memref<640x128xf32, #tpu.memory_space<vmem_shared>> -> memref<40x128xf32, #tpu.memory_space<vmem_shared>>
      tpu.enqueue_dma source(%arg10 : memref<40x128xf32, #tpu.memory_space<vmem>>) target(%dma_start3A_22 : memref<40x128xf32, #tpu.memory_space<vmem_shared>>) target_semaphore(%run_scoped3A : memref<!tpu.dma_semaphore, #tpu.memory_space<semaphore_mem>>)
      %dma_wait3A = arith.constant 0 : i32
      %dma_wait3A_23 = tpu.memref_slice %arg13[%mul3A_13, %dma_wait3A] : memref<640x128xf32, #tpu.memory_space<vmem_shared>> -> memref<40x128xf32, #tpu.memory_space<vmem_shared>>
      %dma_wait3A_24 = arith.constant 0 : i32
      %dma_wait3A_25 = tpu.memref_slice %arg13[%mul3A_13, %dma_wait3A_24] : memref<640x128xf32, #tpu.memory_space<vmem_shared>> -> memref<40x128xf32, #tpu.memory_space<vmem_shared>>
      tpu.wait_dma2 semaphore(%run_scoped3A : memref<!tpu.dma_semaphore, #tpu.memory_space<semaphore_mem>>) src(%arg10 : memref<40x128xf32, #tpu.memory_space<vmem>>) dst(%dma_wait3A_25 : memref<40x128xf32, #tpu.memory_space<vmem_shared>>)
      tpu.yield
    }) : () -> ()
    %barrier3A = arith.constant 0 : index
    tpu.barrier barrier_id(%barrier3A)
    %scan3A_14 = arith.constant 0 : i32
    %scan3A_15 = arith.constant 25 : i32
    %scan3A_16 = arith.addi %scan3A_14, %scan3A_15 : i32
    %scan3A_17 = arith.constant 1 : i32
    scf.for %scan3A_20 = %scan3A_14 to %scan3A_16 step %scan3A_17  : i32 {
      %mul3A_21 = arith.constant 1 : i32
      %mul3A_22 = arith.muli %scan3A_20, %mul3A_21 : i32
      %add3A_23 = arith.constant 0 : i32
      %add3A_24 = arith.addi %add3A_23, %mul3A_22 : i32
      %mul3A_25 = arith.constant 400 : i32
      %mul3A_26 = arith.muli %add3A_24, %mul3A_25 : i32
      %add3A_27 = arith.addi %mul3A_2, %mul3A_26 : i32
      "tpu.region"() ({
        %run_scoped3A = tpu.sem_alloc : memref<!tpu.dma_semaphore, #tpu.memory_space<semaphore_mem>>
        %dma_start3A = arith.constant 0 : i32
        %dma_start3A_53 = tpu.memref_slice %arg2[%add3A_27, %dma_start3A] : memref<320000x128xf32, #tpu.memory_space<hbm>> -> memref<400x128xf32, #tpu.memory_space<hbm>>
        %dma_start3A_54 = arith.constant 0 : i32
        %dma_start3A_55 = tpu.memref_slice %arg2[%add3A_27, %dma_start3A_54] : memref<320000x128xf32, #tpu.memory_space<hbm>> -> memref<400x128xf32, #tpu.memory_space<hbm>>
        tpu.enqueue_dma source(%dma_start3A_55 : memref<400x128xf32, #tpu.memory_space<hbm>>) target(%arg7 : memref<400x128xf32, #tpu.memory_space<vmem>>) target_semaphore(%run_scoped3A : memref<!tpu.dma_semaphore, #tpu.memory_space<semaphore_mem>>)
        %dma_wait3A = arith.constant 0 : i32
        %dma_wait3A_56 = tpu.memref_slice %arg2[%add3A_27, %dma_wait3A] : memref<320000x128xf32, #tpu.memory_space<hbm>> -> memref<400x128xf32, #tpu.memory_space<hbm>>
        %dma_wait3A_57 = arith.constant 0 : i32
        %dma_wait3A_58 = tpu.memref_slice %arg2[%add3A_27, %dma_wait3A_57] : memref<320000x128xf32, #tpu.memory_space<hbm>> -> memref<400x128xf32, #tpu.memory_space<hbm>>
        tpu.wait_dma2 semaphore(%run_scoped3A : memref<!tpu.dma_semaphore, #tpu.memory_space<semaphore_mem>>) src(%dma_wait3A_58 : memref<400x128xf32, #tpu.memory_space<hbm>>) dst(%arg7 : memref<400x128xf32, #tpu.memory_space<vmem>>)
        tpu.yield
      }) : () -> ()
      %add3A_28 = arith.constant 0 : i32
      %add3A_29 = arith.addi %add3A_27, %add3A_28 : i32
      "tpu.region"() ({
        %run_scoped3A = tpu.sem_alloc : memref<!tpu.dma_semaphore, #tpu.memory_space<semaphore_mem>>
        %dma_start3A = tpu.memref_slice %arg3[%add3A_29] : memref<320000xi32, #tpu.memory_space<hbm>> -> memref<80xi32, #tpu.memory_space<hbm>>
        %dma_start3A_53 = tpu.memref_slice %arg3[%add3A_29] : memref<320000xi32, #tpu.memory_space<hbm>> -> memref<80xi32, #tpu.memory_space<hbm>>
        tpu.enqueue_dma source(%dma_start3A_53 : memref<80xi32, #tpu.memory_space<hbm>>) target(%arg8 : memref<80xi32, #tpu.memory_space<vmem>>) target_semaphore(%run_scoped3A : memref<!tpu.dma_semaphore, #tpu.memory_space<semaphore_mem>>)
        %dma_wait3A = tpu.memref_slice %arg3[%add3A_29] : memref<320000xi32, #tpu.memory_space<hbm>> -> memref<80xi32, #tpu.memory_space<hbm>>
        %dma_wait3A_54 = tpu.memref_slice %arg3[%add3A_29] : memref<320000xi32, #tpu.memory_space<hbm>> -> memref<80xi32, #tpu.memory_space<hbm>>
        tpu.wait_dma2 semaphore(%run_scoped3A : memref<!tpu.dma_semaphore, #tpu.memory_space<semaphore_mem>>) src(%dma_wait3A_54 : memref<80xi32, #tpu.memory_space<hbm>>) dst(%arg8 : memref<80xi32, #tpu.memory_space<vmem>>)
        tpu.yield
      }) : () -> ()
      "tpu.region"() ({
        %run_scoped3A = tpu.sem_alloc : memref<!tpu.dma_semaphore, #tpu.memory_space<semaphore_mem>>
        %dma_start3A = arith.constant 0 : i32
        %dma_start3A_53 = arith.constant 0 : i32
        %dma_start3A_54 = tpu.memref_slice %arg7[%dma_start3A, %dma_start3A_53] : memref<400x128xf32, #tpu.memory_space<vmem>> -> memref<80x128xf32, #tpu.memory_space<vmem>>
        %dma_start3A_55 = arith.constant 0 : i32
        %dma_start3A_56 = arith.constant 0 : i32
        %dma_start3A_57 = tpu.memref_slice %arg11[%dma_start3A_55, %dma_start3A_56] : memref<640x128xf32, #tpu.memory_space<vmem_shared>> -> memref<640x128xf32, #tpu.memory_space<vmem_shared>>
        tpu.enqueue_indirect_dma source(%dma_start3A_54 : memref<80x128xf32, #tpu.memory_space<vmem>>) target(%dma_start3A_57 : memref<640x128xf32, #tpu.memory_space<vmem_shared>>) offsets(%arg8 : memref<80xi32, #tpu.memory_space<vmem>>) semaphore(%run_scoped3A : memref<!tpu.dma_semaphore, #tpu.memory_space<semaphore_mem>>) {add = true}
        %dma_wait3A = arith.constant 0 : i32
        %dma_wait3A_58 = arith.constant 0 : i32
        %dma_wait3A_59 = tpu.memref_slice %arg7[%dma_wait3A, %dma_wait3A_58] : memref<400x128xf32, #tpu.memory_space<vmem>> -> memref<80x128xf32, #tpu.memory_space<vmem>>
        %dma_wait3A_60 = arith.constant 0 : i32
        %dma_wait3A_61 = arith.constant 0 : i32
        %dma_wait3A_62 = tpu.memref_slice %arg11[%dma_wait3A_60, %dma_wait3A_61] : memref<640x128xf32, #tpu.memory_space<vmem_shared>> -> memref<640x128xf32, #tpu.memory_space<vmem_shared>>
        tpu.wait_indirect_dma semaphore(%run_scoped3A : memref<!tpu.dma_semaphore, #tpu.memory_space<semaphore_mem>>) src(%dma_wait3A_59 : memref<80x128xf32, #tpu.memory_space<vmem>>) dst(%dma_wait3A_62 : memref<640x128xf32, #tpu.memory_space<vmem_shared>>)
        tpu.yield
      }) : () -> ()
      "tpu.region"() ({
        %run_scoped3A = tpu.sem_alloc : memref<!tpu.dma_semaphore, #tpu.memory_space<semaphore_mem>>
        %dma_start3A = arith.constant 0 : i32
        %dma_start3A_53 = arith.constant 0 : i32
        %dma_start3A_54 = tpu.memref_slice %arg13[%dma_start3A, %dma_start3A_53] : memref<640x128xf32, #tpu.memory_space<vmem_shared>> -> memref<640x128xf32, #tpu.memory_space<vmem_shared>>
        tpu.enqueue_indirect_dma source(%arg9 : memref<80x128xf32, #tpu.memory_space<vmem>>) target(%dma_start3A_54 : memref<640x128xf32, #tpu.memory_space<vmem_shared>>) offsets(%arg8 : memref<80xi32, #tpu.memory_space<vmem>>) semaphore(%run_scoped3A : memref<!tpu.dma_semaphore, #tpu.memory_space<semaphore_mem>>) {add = true}
        %dma_wait3A = arith.constant 0 : i32
        %dma_wait3A_55 = arith.constant 0 : i32
        %dma_wait3A_56 = tpu.memref_slice %arg13[%dma_wait3A, %dma_wait3A_55] : memref<640x128xf32, #tpu.memory_space<vmem_shared>> -> memref<640x128xf32, #tpu.memory_space<vmem_shared>>
        tpu.wait_indirect_dma semaphore(%run_scoped3A : memref<!tpu.dma_semaphore, #tpu.memory_space<semaphore_mem>>) src(%arg9 : memref<80x128xf32, #tpu.memory_space<vmem>>) dst(%dma_wait3A_56 : memref<640x128xf32, #tpu.memory_space<vmem_shared>>)
        tpu.yield
      }) : () -> ()
      %add3A_30 = arith.constant 80 : i32
      %add3A_31 = arith.addi %add3A_27, %add3A_30 : i32
      "tpu.region"() ({
        %run_scoped3A = tpu.sem_alloc : memref<!tpu.dma_semaphore, #tpu.memory_space<semaphore_mem>>
        %dma_start3A = tpu.memref_slice %arg3[%add3A_31] : memref<320000xi32, #tpu.memory_space<hbm>> -> memref<80xi32, #tpu.memory_space<hbm>>
        %dma_start3A_53 = tpu.memref_slice %arg3[%add3A_31] : memref<320000xi32, #tpu.memory_space<hbm>> -> memref<80xi32, #tpu.memory_space<hbm>>
        tpu.enqueue_dma source(%dma_start3A_53 : memref<80xi32, #tpu.memory_space<hbm>>) target(%arg8 : memref<80xi32, #tpu.memory_space<vmem>>) target_semaphore(%run_scoped3A : memref<!tpu.dma_semaphore, #tpu.memory_space<semaphore_mem>>)
        %dma_wait3A = tpu.memref_slice %arg3[%add3A_31] : memref<320000xi32, #tpu.memory_space<hbm>> -> memref<80xi32, #tpu.memory_space<hbm>>
        %dma_wait3A_54 = tpu.memref_slice %arg3[%add3A_31] : memref<320000xi32, #tpu.memory_space<hbm>> -> memref<80xi32, #tpu.memory_space<hbm>>
        tpu.wait_dma2 semaphore(%run_scoped3A : memref<!tpu.dma_semaphore, #tpu.memory_space<semaphore_mem>>) src(%dma_wait3A_54 : memref<80xi32, #tpu.memory_space<hbm>>) dst(%arg8 : memref<80xi32, #tpu.memory_space<vmem>>)
        tpu.yield
      }) : () -> ()
      "tpu.region"() ({
        %run_scoped3A = tpu.sem_alloc : memref<!tpu.dma_semaphore, #tpu.memory_space<semaphore_mem>>
        %dma_start3A = arith.constant 80 : i32
        %dma_start3A_53 = arith.constant 0 : i32
        %dma_start3A_54 = tpu.memref_slice %arg7[%dma_start3A, %dma_start3A_53] : memref<400x128xf32, #tpu.memory_space<vmem>> -> memref<80x128xf32, #tpu.memory_space<vmem>>
        %dma_start3A_55 = arith.constant 0 : i32
        %dma_start3A_56 = arith.constant 0 : i32
        %dma_start3A_57 = tpu.memref_slice %arg11[%dma_start3A_55, %dma_start3A_56] : memref<640x128xf32, #tpu.memory_space<vmem_shared>> -> memref<640x128xf32, #tpu.memory_space<vmem_shared>>
        tpu.enqueue_indirect_dma source(%dma_start3A_54 : memref<80x128xf32, #tpu.memory_space<vmem>>) target(%dma_start3A_57 : memref<640x128xf32, #tpu.memory_space<vmem_shared>>) offsets(%arg8 : memref<80xi32, #tpu.memory_space<vmem>>) semaphore(%run_scoped3A : memref<!tpu.dma_semaphore, #tpu.memory_space<semaphore_mem>>) {add = true}
        %dma_wait3A = arith.constant 80 : i32
        %dma_wait3A_58 = arith.constant 0 : i32
        %dma_wait3A_59 = tpu.memref_slice %arg7[%dma_wait3A, %dma_wait3A_58] : memref<400x128xf32, #tpu.memory_space<vmem>> -> memref<80x128xf32, #tpu.memory_space<vmem>>
        %dma_wait3A_60 = arith.constant 0 : i32
        %dma_wait3A_61 = arith.constant 0 : i32
        %dma_wait3A_62 = tpu.memref_slice %arg11[%dma_wait3A_60, %dma_wait3A_61] : memref<640x128xf32, #tpu.memory_space<vmem_shared>> -> memref<640x128xf32, #tpu.memory_space<vmem_shared>>
        tpu.wait_indirect_dma semaphore(%run_scoped3A : memref<!tpu.dma_semaphore, #tpu.memory_space<semaphore_mem>>) src(%dma_wait3A_59 : memref<80x128xf32, #tpu.memory_space<vmem>>) dst(%dma_wait3A_62 : memref<640x128xf32, #tpu.memory_space<vmem_shared>>)
        tpu.yield
      }) : () -> ()
      "tpu.region"() ({
        %run_scoped3A = tpu.sem_alloc : memref<!tpu.dma_semaphore, #tpu.memory_space<semaphore_mem>>
        %dma_start3A = arith.constant 0 : i32
        %dma_start3A_53 = arith.constant 0 : i32
        %dma_start3A_54 = tpu.memref_slice %arg13[%dma_start3A, %dma_start3A_53] : memref<640x128xf32, #tpu.memory_space<vmem_shared>> -> memref<640x128xf32, #tpu.memory_space<vmem_shared>>
        tpu.enqueue_indirect_dma source(%arg9 : memref<80x128xf32, #tpu.memory_space<vmem>>) target(%dma_start3A_54 : memref<640x128xf32, #tpu.memory_space<vmem_shared>>) offsets(%arg8 : memref<80xi32, #tpu.memory_space<vmem>>) semaphore(%run_scoped3A : memref<!tpu.dma_semaphore, #tpu.memory_space<semaphore_mem>>) {add = true}
        %dma_wait3A = arith.constant 0 : i32
        %dma_wait3A_55 = arith.constant 0 : i32
        %dma_wait3A_56 = tpu.memref_slice %arg13[%dma_wait3A, %dma_wait3A_55] : memref<640x128xf32, #tpu.memory_space<vmem_shared>> -> memref<640x128xf32, #tpu.memory_space<vmem_shared>>
        tpu.wait_indirect_dma semaphore(%run_scoped3A : memref<!tpu.dma_semaphore, #tpu.memory_space<semaphore_mem>>) src(%arg9 : memref<80x128xf32, #tpu.memory_space<vmem>>) dst(%dma_wait3A_56 : memref<640x128xf32, #tpu.memory_space<vmem_shared>>)
        tpu.yield
      }) : () -> ()
      %add3A_32 = arith.constant 160 : i32
      %add3A_33 = arith.addi %add3A_27, %add3A_32 : i32
      "tpu.region"() ({
        %run_scoped3A = tpu.sem_alloc : memref<!tpu.dma_semaphore, #tpu.memory_space<semaphore_mem>>
        %dma_start3A = tpu.memref_slice %arg3[%add3A_33] : memref<320000xi32, #tpu.memory_space<hbm>> -> memref<80xi32, #tpu.memory_space<hbm>>
        %dma_start3A_53 = tpu.memref_slice %arg3[%add3A_33] : memref<320000xi32, #tpu.memory_space<hbm>> -> memref<80xi32, #tpu.memory_space<hbm>>
        tpu.enqueue_dma source(%dma_start3A_53 : memref<80xi32, #tpu.memory_space<hbm>>) target(%arg8 : memref<80xi32, #tpu.memory_space<vmem>>) target_semaphore(%run_scoped3A : memref<!tpu.dma_semaphore, #tpu.memory_space<semaphore_mem>>)
        %dma_wait3A = tpu.memref_slice %arg3[%add3A_33] : memref<320000xi32, #tpu.memory_space<hbm>> -> memref<80xi32, #tpu.memory_space<hbm>>
        %dma_wait3A_54 = tpu.memref_slice %arg3[%add3A_33] : memref<320000xi32, #tpu.memory_space<hbm>> -> memref<80xi32, #tpu.memory_space<hbm>>
        tpu.wait_dma2 semaphore(%run_scoped3A : memref<!tpu.dma_semaphore, #tpu.memory_space<semaphore_mem>>) src(%dma_wait3A_54 : memref<80xi32, #tpu.memory_space<hbm>>) dst(%arg8 : memref<80xi32, #tpu.memory_space<vmem>>)
        tpu.yield
      }) : () -> ()
      "tpu.region"() ({
        %run_scoped3A = tpu.sem_alloc : memref<!tpu.dma_semaphore, #tpu.memory_space<semaphore_mem>>
        %dma_start3A = arith.constant 160 : i32
        %dma_start3A_53 = arith.constant 0 : i32
        %dma_start3A_54 = tpu.memref_slice %arg7[%dma_start3A, %dma_start3A_53] : memref<400x128xf32, #tpu.memory_space<vmem>> -> memref<80x128xf32, #tpu.memory_space<vmem>>
        %dma_start3A_55 = arith.constant 0 : i32
        %dma_start3A_56 = arith.constant 0 : i32
        %dma_start3A_57 = tpu.memref_slice %arg11[%dma_start3A_55, %dma_start3A_56] : memref<640x128xf32, #tpu.memory_space<vmem_shared>> -> memref<640x128xf32, #tpu.memory_space<vmem_shared>>
        tpu.enqueue_indirect_dma source(%dma_start3A_54 : memref<80x128xf32, #tpu.memory_space<vmem>>) target(%dma_start3A_57 : memref<640x128xf32, #tpu.memory_space<vmem_shared>>) offsets(%arg8 : memref<80xi32, #tpu.memory_space<vmem>>) semaphore(%run_scoped3A : memref<!tpu.dma_semaphore, #tpu.memory_space<semaphore_mem>>) {add = true}
        %dma_wait3A = arith.constant 160 : i32
        %dma_wait3A_58 = arith.constant 0 : i32
        %dma_wait3A_59 = tpu.memref_slice %arg7[%dma_wait3A, %dma_wait3A_58] : memref<400x128xf32, #tpu.memory_space<vmem>> -> memref<80x128xf32, #tpu.memory_space<vmem>>
        %dma_wait3A_60 = arith.constant 0 : i32
        %dma_wait3A_61 = arith.constant 0 : i32
        %dma_wait3A_62 = tpu.memref_slice %arg11[%dma_wait3A_60, %dma_wait3A_61] : memref<640x128xf32, #tpu.memory_space<vmem_shared>> -> memref<640x128xf32, #tpu.memory_space<vmem_shared>>
        tpu.wait_indirect_dma semaphore(%run_scoped3A : memref<!tpu.dma_semaphore, #tpu.memory_space<semaphore_mem>>) src(%dma_wait3A_59 : memref<80x128xf32, #tpu.memory_space<vmem>>) dst(%dma_wait3A_62 : memref<640x128xf32, #tpu.memory_space<vmem_shared>>)
        tpu.yield
      }) : () -> ()
      "tpu.region"() ({
        %run_scoped3A = tpu.sem_alloc : memref<!tpu.dma_semaphore, #tpu.memory_space<semaphore_mem>>
        %dma_start3A = arith.constant 0 : i32
        %dma_start3A_53 = arith.constant 0 : i32
        %dma_start3A_54 = tpu.memref_slice %arg13[%dma_start3A, %dma_start3A_53] : memref<640x128xf32, #tpu.memory_space<vmem_shared>> -> memref<640x128xf32, #tpu.memory_space<vmem_shared>>
        tpu.enqueue_indirect_dma source(%arg9 : memref<80x128xf32, #tpu.memory_space<vmem>>) target(%dma_start3A_54 : memref<640x128xf32, #tpu.memory_space<vmem_shared>>) offsets(%arg8 : memref<80xi32, #tpu.memory_space<vmem>>) semaphore(%run_scoped3A : memref<!tpu.dma_semaphore, #tpu.memory_space<semaphore_mem>>) {add = true}
        %dma_wait3A = arith.constant 0 : i32
        %dma_wait3A_55 = arith.constant 0 : i32
        %dma_wait3A_56 = tpu.memref_slice %arg13[%dma_wait3A, %dma_wait3A_55] : memref<640x128xf32, #tpu.memory_space<vmem_shared>> -> memref<640x128xf32, #tpu.memory_space<vmem_shared>>
        tpu.wait_indirect_dma semaphore(%run_scoped3A : memref<!tpu.dma_semaphore, #tpu.memory_space<semaphore_mem>>) src(%arg9 : memref<80x128xf32, #tpu.memory_space<vmem>>) dst(%dma_wait3A_56 : memref<640x128xf32, #tpu.memory_space<vmem_shared>>)
        tpu.yield
      }) : () -> ()
      %add3A_34 = arith.constant 240 : i32
      %add3A_35 = arith.addi %add3A_27, %add3A_34 : i32
      "tpu.region"() ({
        %run_scoped3A = tpu.sem_alloc : memref<!tpu.dma_semaphore, #tpu.memory_space<semaphore_mem>>
        %dma_start3A = tpu.memref_slice %arg3[%add3A_35] : memref<320000xi32, #tpu.memory_space<hbm>> -> memref<80xi32, #tpu.memory_space<hbm>>
        %dma_start3A_53 = tpu.memref_slice %arg3[%add3A_35] : memref<320000xi32, #tpu.memory_space<hbm>> -> memref<80xi32, #tpu.memory_space<hbm>>
        tpu.enqueue_dma source(%dma_start3A_53 : memref<80xi32, #tpu.memory_space<hbm>>) target(%arg8 : memref<80xi32, #tpu.memory_space<vmem>>) target_semaphore(%run_scoped3A : memref<!tpu.dma_semaphore, #tpu.memory_space<semaphore_mem>>)
        %dma_wait3A = tpu.memref_slice %arg3[%add3A_35] : memref<320000xi32, #tpu.memory_space<hbm>> -> memref<80xi32, #tpu.memory_space<hbm>>
        %dma_wait3A_54 = tpu.memref_slice %arg3[%add3A_35] : memref<320000xi32, #tpu.memory_space<hbm>> -> memref<80xi32, #tpu.memory_space<hbm>>
        tpu.wait_dma2 semaphore(%run_scoped3A : memref<!tpu.dma_semaphore, #tpu.memory_space<semaphore_mem>>) src(%dma_wait3A_54 : memref<80xi32, #tpu.memory_space<hbm>>) dst(%arg8 : memref<80xi32, #tpu.memory_space<vmem>>)
        tpu.yield
      }) : () -> ()
      "tpu.region"() ({
        %run_scoped3A = tpu.sem_alloc : memref<!tpu.dma_semaphore, #tpu.memory_space<semaphore_mem>>
        %dma_start3A = arith.constant 240 : i32
        %dma_start3A_53 = arith.constant 0 : i32
        %dma_start3A_54 = tpu.memref_slice %arg7[%dma_start3A, %dma_start3A_53] : memref<400x128xf32, #tpu.memory_space<vmem>> -> memref<80x128xf32, #tpu.memory_space<vmem>>
        %dma_start3A_55 = arith.constant 0 : i32
        %dma_start3A_56 = arith.constant 0 : i32
        %dma_start3A_57 = tpu.memref_slice %arg11[%dma_start3A_55, %dma_start3A_56] : memref<640x128xf32, #tpu.memory_space<vmem_shared>> -> memref<640x128xf32, #tpu.memory_space<vmem_shared>>
        tpu.enqueue_indirect_dma source(%dma_start3A_54 : memref<80x128xf32, #tpu.memory_space<vmem>>) target(%dma_start3A_57 : memref<640x128xf32, #tpu.memory_space<vmem_shared>>) offsets(%arg8 : memref<80xi32, #tpu.memory_space<vmem>>) semaphore(%run_scoped3A : memref<!tpu.dma_semaphore, #tpu.memory_space<semaphore_mem>>) {add = true}
        %dma_wait3A = arith.constant 240 : i32
        %dma_wait3A_58 = arith.constant 0 : i32
        %dma_wait3A_59 = tpu.memref_slice %arg7[%dma_wait3A, %dma_wait3A_58] : memref<400x128xf32, #tpu.memory_space<vmem>> -> memref<80x128xf32, #tpu.memory_space<vmem>>
        %dma_wait3A_60 = arith.constant 0 : i32
        %dma_wait3A_61 = arith.constant 0 : i32
        %dma_wait3A_62 = tpu.memref_slice %arg11[%dma_wait3A_60, %dma_wait3A_61] : memref<640x128xf32, #tpu.memory_space<vmem_shared>> -> memref<640x128xf32, #tpu.memory_space<vmem_shared>>
        tpu.wait_indirect_dma semaphore(%run_scoped3A : memref<!tpu.dma_semaphore, #tpu.memory_space<semaphore_mem>>) src(%dma_wait3A_59 : memref<80x128xf32, #tpu.memory_space<vmem>>) dst(%dma_wait3A_62 : memref<640x128xf32, #tpu.memory_space<vmem_shared>>)
        tpu.yield
      }) : () -> ()
      "tpu.region"() ({
        %run_scoped3A = tpu.sem_alloc : memref<!tpu.dma_semaphore, #tpu.memory_space<semaphore_mem>>
        %dma_start3A = arith.constant 0 : i32
        %dma_start3A_53 = arith.constant 0 : i32
        %dma_start3A_54 = tpu.memref_slice %arg13[%dma_start3A, %dma_start3A_53] : memref<640x128xf32, #tpu.memory_space<vmem_shared>> -> memref<640x128xf32, #tpu.memory_space<vmem_shared>>
        tpu.enqueue_indirect_dma source(%arg9 : memref<80x128xf32, #tpu.memory_space<vmem>>) target(%dma_start3A_54 : memref<640x128xf32, #tpu.memory_space<vmem_shared>>) offsets(%arg8 : memref<80xi32, #tpu.memory_space<vmem>>) semaphore(%run_scoped3A : memref<!tpu.dma_semaphore, #tpu.memory_space<semaphore_mem>>) {add = true}
        %dma_wait3A = arith.constant 0 : i32
        %dma_wait3A_55 = arith.constant 0 : i32
        %dma_wait3A_56 = tpu.memref_slice %arg13[%dma_wait3A, %dma_wait3A_55] : memref<640x128xf32, #tpu.memory_space<vmem_shared>> -> memref<640x128xf32, #tpu.memory_space<vmem_shared>>
        tpu.wait_indirect_dma semaphore(%run_scoped3A : memref<!tpu.dma_semaphore, #tpu.memory_space<semaphore_mem>>) src(%arg9 : memref<80x128xf32, #tpu.memory_space<vmem>>) dst(%dma_wait3A_56 : memref<640x128xf32, #tpu.memory_space<vmem_shared>>)
        tpu.yield
      }) : () -> ()
      %add3A_36 = arith.constant 320 : i32
      %add3A_37 = arith.addi %add3A_27, %add3A_36 : i32
      "tpu.region"() ({
        %run_scoped3A = tpu.sem_alloc : memref<!tpu.dma_semaphore, #tpu.memory_space<semaphore_mem>>
        %dma_start3A = tpu.memref_slice %arg3[%add3A_37] : memref<320000xi32, #tpu.memory_space<hbm>> -> memref<80xi32, #tpu.memory_space<hbm>>
        %dma_start3A_53 = tpu.memref_slice %arg3[%add3A_37] : memref<320000xi32, #tpu.memory_space<hbm>> -> memref<80xi32, #tpu.memory_space<hbm>>
        tpu.enqueue_dma source(%dma_start3A_53 : memref<80xi32, #tpu.memory_space<hbm>>) target(%arg8 : memref<80xi32, #tpu.memory_space<vmem>>) target_semaphore(%run_scoped3A : memref<!tpu.dma_semaphore, #tpu.memory_space<semaphore_mem>>)
        %dma_wait3A = tpu.memref_slice %arg3[%add3A_37] : memref<320000xi32, #tpu.memory_space<hbm>> -> memref<80xi32, #tpu.memory_space<hbm>>
        %dma_wait3A_54 = tpu.memref_slice %arg3[%add3A_37] : memref<320000xi32, #tpu.memory_space<hbm>> -> memref<80xi32, #tpu.memory_space<hbm>>
        tpu.wait_dma2 semaphore(%run_scoped3A : memref<!tpu.dma_semaphore, #tpu.memory_space<semaphore_mem>>) src(%dma_wait3A_54 : memref<80xi32, #tpu.memory_space<hbm>>) dst(%arg8 : memref<80xi32, #tpu.memory_space<vmem>>)
        tpu.yield
      }) : () -> ()
      "tpu.region"() ({
        %run_scoped3A = tpu.sem_alloc : memref<!tpu.dma_semaphore, #tpu.memory_space<semaphore_mem>>
        %dma_start3A = arith.constant 320 : i32
        %dma_start3A_53 = arith.constant 0 : i32
        %dma_start3A_54 = tpu.memref_slice %arg7[%dma_start3A, %dma_start3A_53] : memref<400x128xf32, #tpu.memory_space<vmem>> -> memref<80x128xf32, #tpu.memory_space<vmem>>
        %dma_start3A_55 = arith.constant 0 : i32
        %dma_start3A_56 = arith.constant 0 : i32
        %dma_start3A_57 = tpu.memref_slice %arg11[%dma_start3A_55, %dma_start3A_56] : memref<640x128xf32, #tpu.memory_space<vmem_shared>> -> memref<640x128xf32, #tpu.memory_space<vmem_shared>>
        tpu.enqueue_indirect_dma source(%dma_start3A_54 : memref<80x128xf32, #tpu.memory_space<vmem>>) target(%dma_start3A_57 : memref<640x128xf32, #tpu.memory_space<vmem_shared>>) offsets(%arg8 : memref<80xi32, #tpu.memory_space<vmem>>) semaphore(%run_scoped3A : memref<!tpu.dma_semaphore, #tpu.memory_space<semaphore_mem>>) {add = true}
        %dma_wait3A = arith.constant 320 : i32
        %dma_wait3A_58 = arith.constant 0 : i32
        %dma_wait3A_59 = tpu.memref_slice %arg7[%dma_wait3A, %dma_wait3A_58] : memref<400x128xf32, #tpu.memory_space<vmem>> -> memref<80x128xf32, #tpu.memory_space<vmem>>
        %dma_wait3A_60 = arith.constant 0 : i32
        %dma_wait3A_61 = arith.constant 0 : i32
        %dma_wait3A_62 = tpu.memref_slice %arg11[%dma_wait3A_60, %dma_wait3A_61] : memref<640x128xf32, #tpu.memory_space<vmem_shared>> -> memref<640x128xf32, #tpu.memory_space<vmem_shared>>
        tpu.wait_indirect_dma semaphore(%run_scoped3A : memref<!tpu.dma_semaphore, #tpu.memory_space<semaphore_mem>>) src(%dma_wait3A_59 : memref<80x128xf32, #tpu.memory_space<vmem>>) dst(%dma_wait3A_62 : memref<640x128xf32, #tpu.memory_space<vmem_shared>>)
        tpu.yield
      }) : () -> ()
      "tpu.region"() ({
        %run_scoped3A = tpu.sem_alloc : memref<!tpu.dma_semaphore, #tpu.memory_space<semaphore_mem>>
        %dma_start3A = arith.constant 0 : i32
        %dma_start3A_53 = arith.constant 0 : i32
        %dma_start3A_54 = tpu.memref_slice %arg13[%dma_start3A, %dma_start3A_53] : memref<640x128xf32, #tpu.memory_space<vmem_shared>> -> memref<640x128xf32, #tpu.memory_space<vmem_shared>>
        tpu.enqueue_indirect_dma source(%arg9 : memref<80x128xf32, #tpu.memory_space<vmem>>) target(%dma_start3A_54 : memref<640x128xf32, #tpu.memory_space<vmem_shared>>) offsets(%arg8 : memref<80xi32, #tpu.memory_space<vmem>>) semaphore(%run_scoped3A : memref<!tpu.dma_semaphore, #tpu.memory_space<semaphore_mem>>) {add = true}
        %dma_wait3A = arith.constant 0 : i32
        %dma_wait3A_55 = arith.constant 0 : i32
        %dma_wait3A_56 = tpu.memref_slice %arg13[%dma_wait3A, %dma_wait3A_55] : memref<640x128xf32, #tpu.memory_space<vmem_shared>> -> memref<640x128xf32, #tpu.memory_space<vmem_shared>>
        tpu.wait_indirect_dma semaphore(%run_scoped3A : memref<!tpu.dma_semaphore, #tpu.memory_space<semaphore_mem>>) src(%arg9 : memref<80x128xf32, #tpu.memory_space<vmem>>) dst(%dma_wait3A_56 : memref<640x128xf32, #tpu.memory_space<vmem_shared>>)
        tpu.yield
      }) : () -> ()
      %scan3A_38 = arith.constant 0 : i32
      %scan3A_39 = arith.constant 400 : i32
      %scan3A_40 = arith.addi %scan3A_38, %scan3A_39 : i32
      %scan3A_41 = arith.constant 1 : i32
      scf.for %scan3A_53 = %scan3A_38 to %scan3A_40 step %scan3A_41  : i32 {
        %mul3A_54 = arith.constant 1 : i32
        %mul3A_55 = arith.muli %scan3A_53, %mul3A_54 : i32
        %add3A_56 = arith.constant 0 : i32
        %add3A_57 = arith.addi %add3A_56, %mul3A_55 : i32
        %get3A = arith.index_cast %add3A_57 : i32 to index
        %get3A_58 = arith.constant 0 : index
        %get3A_59 = tpu.vector_load %arg7[%get3A, %get3A_58] {strides = array<i32>} : memref<400x128xf32, #tpu.memory_space<vmem>>, vector<1x16xf32>,
        %get3A_60 = vector.shape_cast %get3A_59 : vector<1x16xf32> to vector<16xf32>
        %mul3A_61 = arith.mulf %get3A_60, %get3A_60 : vector<16xf32>
        %swap3A = arith.index_cast %add3A_57 : i32 to index
        %swap3A_62 = arith.constant 0 : index
        %swap3A_63 = tpu.vector_load %arg7[%swap3A, %swap3A_62] {strides = array<i32>} : memref<400x128xf32, #tpu.memory_space<vmem>>, vector<1x16xf32>,
        %swap3A_64 = vector.shape_cast %swap3A_63 : vector<1x16xf32> to vector<16xf32>
        %swap3A_65 = vector.shape_cast %mul3A_61 : vector<16xf32> to vector<1x16xf32>
        tpu.vector_store %arg7[%swap3A, %swap3A_62], %swap3A_65 {strides = array<i32>} : memref<400x128xf32, #tpu.memory_space<vmem>>, vector<1x16xf32>,
        %get3A_66 = arith.index_cast %add3A_57 : i32 to index
        %get3A_67 = arith.constant 16 : index
        %get3A_68 = tpu.vector_load %arg7[%get3A_66, %get3A_67] {strides = array<i32>} : memref<400x128xf32, #tpu.memory_space<vmem>>, vector<1x16xf32>,
        %get3A_69 = vector.shape_cast %get3A_68 : vector<1x16xf32> to vector<16xf32>
        %mul3A_70 = arith.mulf %get3A_69, %get3A_69 : vector<16xf32>
        %swap3A_71 = arith.index_cast %add3A_57 : i32 to index
        %swap3A_72 = arith.constant 16 : index
        %swap3A_73 = tpu.vector_load %arg7[%swap3A_71, %swap3A_72] {strides = array<i32>} : memref<400x128xf32, #tpu.memory_space<vmem>>, vector<1x16xf32>,
        %swap3A_74 = vector.shape_cast %swap3A_73 : vector<1x16xf32> to vector<16xf32>
        %swap3A_75 = vector.shape_cast %mul3A_70 : vector<16xf32> to vector<1x16xf32>
        tpu.vector_store %arg7[%swap3A_71, %swap3A_72], %swap3A_75 {strides = array<i32>} : memref<400x128xf32, #tpu.memory_space<vmem>>, vector<1x16xf32>,
        %get3A_76 = arith.index_cast %add3A_57 : i32 to index
        %get3A_77 = arith.constant 32 : index
        %get3A_78 = tpu.vector_load %arg7[%get3A_76, %get3A_77] {strides = array<i32>} : memref<400x128xf32, #tpu.memory_space<vmem>>, vector<1x16xf32>,
        %get3A_79 = vector.shape_cast %get3A_78 : vector<1x16xf32> to vector<16xf32>
        %mul3A_80 = arith.mulf %get3A_79, %get3A_79 : vector<16xf32>
        %swap3A_81 = arith.index_cast %add3A_57 : i32 to index
        %swap3A_82 = arith.constant 32 : index
        %swap3A_83 = tpu.vector_load %arg7[%swap3A_81, %swap3A_82] {strides = array<i32>} : memref<400x128xf32, #tpu.memory_space<vmem>>, vector<1x16xf32>,
        %swap3A_84 = vector.shape_cast %swap3A_83 : vector<1x16xf32> to vector<16xf32>
        %swap3A_85 = vector.shape_cast %mul3A_80 : vector<16xf32> to vector<1x16xf32>
        tpu.vector_store %arg7[%swap3A_81, %swap3A_82], %swap3A_85 {strides = array<i32>} : memref<400x128xf32, #tpu.memory_space<vmem>>, vector<1x16xf32>,
        %get3A_86 = arith.index_cast %add3A_57 : i32 to index
        %get3A_87 = arith.constant 48 : index
        %get3A_88 = tpu.vector_load %arg7[%get3A_86, %get3A_87] {strides = array<i32>} : memref<400x128xf32, #tpu.memory_space<vmem>>, vector<1x16xf32>,
        %get3A_89 = vector.shape_cast %get3A_88 : vector<1x16xf32> to vector<16xf32>
        %mul3A_90 = arith.mulf %get3A_89, %get3A_89 : vector<16xf32>
        %swap3A_91 = arith.index_cast %add3A_57 : i32 to index
        %swap3A_92 = arith.constant 48 : index
        %swap3A_93 = tpu.vector_load %arg7[%swap3A_91, %swap3A_92] {strides = array<i32>} : memref<400x128xf32, #tpu.memory_space<vmem>>, vector<1x16xf32>,
        %swap3A_94 = vector.shape_cast %swap3A_93 : vector<1x16xf32> to vector<16xf32>
        %swap3A_95 = vector.shape_cast %mul3A_90 : vector<16xf32> to vector<1x16xf32>
        tpu.vector_store %arg7[%swap3A_91, %swap3A_92], %swap3A_95 {strides = array<i32>} : memref<400x128xf32, #tpu.memory_space<vmem>>, vector<1x16xf32>,
        %get3A_96 = arith.index_cast %add3A_57 : i32 to index
        %get3A_97 = arith.constant 64 : index
        %get3A_98 = tpu.vector_load %arg7[%get3A_96, %get3A_97] {strides = array<i32>} : memref<400x128xf32, #tpu.memory_space<vmem>>, vector<1x16xf32>,
        %get3A_99 = vector.shape_cast %get3A_98 : vector<1x16xf32> to vector<16xf32>
        %mul3A_100 = arith.mulf %get3A_99, %get3A_99 : vector<16xf32>
        %swap3A_101 = arith.index_cast %add3A_57 : i32 to index
        %swap3A_102 = arith.constant 64 : index
        %swap3A_103 = tpu.vector_load %arg7[%swap3A_101, %swap3A_102] {strides = array<i32>} : memref<400x128xf32, #tpu.memory_space<vmem>>, vector<1x16xf32>,
        %swap3A_104 = vector.shape_cast %swap3A_103 : vector<1x16xf32> to vector<16xf32>
        %swap3A_105 = vector.shape_cast %mul3A_100 : vector<16xf32> to vector<1x16xf32>
        tpu.vector_store %arg7[%swap3A_101, %swap3A_102], %swap3A_105 {strides = array<i32>} : memref<400x128xf32, #tpu.memory_space<vmem>>, vector<1x16xf32>,
        %get3A_106 = arith.index_cast %add3A_57 : i32 to index
        %get3A_107 = arith.constant 80 : index
        %get3A_108 = tpu.vector_load %arg7[%get3A_106, %get3A_107] {strides = array<i32>} : memref<400x128xf32, #tpu.memory_space<vmem>>, vector<1x16xf32>,
        %get3A_109 = vector.shape_cast %get3A_108 : vector<1x16xf32> to vector<16xf32>
        %mul3A_110 = arith.mulf %get3A_109, %get3A_109 : vector<16xf32>
        %swap3A_111 = arith.index_cast %add3A_57 : i32 to index
        %swap3A_112 = arith.constant 80 : index
        %swap3A_113 = tpu.vector_load %arg7[%swap3A_111, %swap3A_112] {strides = array<i32>} : memref<400x128xf32, #tpu.memory_space<vmem>>, vector<1x16xf32>,
        %swap3A_114 = vector.shape_cast %swap3A_113 : vector<1x16xf32> to vector<16xf32>
        %swap3A_115 = vector.shape_cast %mul3A_110 : vector<16xf32> to vector<1x16xf32>
        tpu.vector_store %arg7[%swap3A_111, %swap3A_112], %swap3A_115 {strides = array<i32>} : memref<400x128xf32, #tpu.memory_space<vmem>>, vector<1x16xf32>,
        %get3A_116 = arith.index_cast %add3A_57 : i32 to index
        %get3A_117 = arith.constant 96 : index
        %get3A_118 = tpu.vector_load %arg7[%get3A_116, %get3A_117] {strides = array<i32>} : memref<400x128xf32, #tpu.memory_space<vmem>>, vector<1x16xf32>,
        %get3A_119 = vector.shape_cast %get3A_118 : vector<1x16xf32> to vector<16xf32>
        %mul3A_120 = arith.mulf %get3A_119, %get3A_119 : vector<16xf32>
        %swap3A_121 = arith.index_cast %add3A_57 : i32 to index
        %swap3A_122 = arith.constant 96 : index
        %swap3A_123 = tpu.vector_load %arg7[%swap3A_121, %swap3A_122] {strides = array<i32>} : memref<400x128xf32, #tpu.memory_space<vmem>>, vector<1x16xf32>,
        %swap3A_124 = vector.shape_cast %swap3A_123 : vector<1x16xf32> to vector<16xf32>
        %swap3A_125 = vector.shape_cast %mul3A_120 : vector<16xf32> to vector<1x16xf32>
        tpu.vector_store %arg7[%swap3A_121, %swap3A_122], %swap3A_125 {strides = array<i32>} : memref<400x128xf32, #tpu.memory_space<vmem>>, vector<1x16xf32>,
        %get3A_126 = arith.index_cast %add3A_57 : i32 to index
        %get3A_127 = arith.constant 112 : index
        %get3A_128 = tpu.vector_load %arg7[%get3A_126, %get3A_127] {strides = array<i32>} : memref<400x128xf32, #tpu.memory_space<vmem>>, vector<1x16xf32>,
        %get3A_129 = vector.shape_cast %get3A_128 : vector<1x16xf32> to vector<16xf32>
        %mul3A_130 = arith.mulf %get3A_129, %get3A_129 : vector<16xf32>
        %swap3A_131 = arith.index_cast %add3A_57 : i32 to index
        %swap3A_132 = arith.constant 112 : index
        %swap3A_133 = tpu.vector_load %arg7[%swap3A_131, %swap3A_132] {strides = array<i32>} : memref<400x128xf32, #tpu.memory_space<vmem>>, vector<1x16xf32>,
        %swap3A_134 = vector.shape_cast %swap3A_133 : vector<1x16xf32> to vector<16xf32>
        %swap3A_135 = vector.shape_cast %mul3A_130 : vector<16xf32> to vector<1x16xf32>
        tpu.vector_store %arg7[%swap3A_131, %swap3A_132], %swap3A_135 {strides = array<i32>} : memref<400x128xf32, #tpu.memory_space<vmem>>, vector<1x16xf32>,
      }
      %scan3A_42 = arith.constant 400 : i32
      %add3A_43 = arith.constant 0 : i32
      %add3A_44 = arith.addi %add3A_27, %add3A_43 : i32
      "tpu.region"() ({
        %run_scoped3A = tpu.sem_alloc : memref<!tpu.dma_semaphore, #tpu.memory_space<semaphore_mem>>
        %dma_start3A = tpu.memref_slice %arg3[%add3A_44] : memref<320000xi32, #tpu.memory_space<hbm>> -> memref<80xi32, #tpu.memory_space<hbm>>
        %dma_start3A_53 = tpu.memref_slice %arg3[%add3A_44] : memref<320000xi32, #tpu.memory_space<hbm>> -> memref<80xi32, #tpu.memory_space<hbm>>
        tpu.enqueue_dma source(%dma_start3A_53 : memref<80xi32, #tpu.memory_space<hbm>>) target(%arg8 : memref<80xi32, #tpu.memory_space<vmem>>) target_semaphore(%run_scoped3A : memref<!tpu.dma_semaphore, #tpu.memory_space<semaphore_mem>>)
        %dma_wait3A = tpu.memref_slice %arg3[%add3A_44] : memref<320000xi32, #tpu.memory_space<hbm>> -> memref<80xi32, #tpu.memory_space<hbm>>
        %dma_wait3A_54 = tpu.memref_slice %arg3[%add3A_44] : memref<320000xi32, #tpu.memory_space<hbm>> -> memref<80xi32, #tpu.memory_space<hbm>>
        tpu.wait_dma2 semaphore(%run_scoped3A : memref<!tpu.dma_semaphore, #tpu.memory_space<semaphore_mem>>) src(%dma_wait3A_54 : memref<80xi32, #tpu.memory_space<hbm>>) dst(%arg8 : memref<80xi32, #tpu.memory_space<vmem>>)
        tpu.yield
      }) : () -> ()
      "tpu.region"() ({
        %run_scoped3A = tpu.sem_alloc : memref<!tpu.dma_semaphore, #tpu.memory_space<semaphore_mem>>
        %dma_start3A = arith.constant 0 : i32
        %dma_start3A_53 = arith.constant 0 : i32
        %dma_start3A_54 = tpu.memref_slice %arg7[%dma_start3A, %dma_start3A_53] : memref<400x128xf32, #tpu.memory_space<vmem>> -> memref<80x128xf32, #tpu.memory_space<vmem>>
        %dma_start3A_55 = arith.constant 0 : i32
        %dma_start3A_56 = arith.constant 0 : i32
        %dma_start3A_57 = tpu.memref_slice %arg12[%dma_start3A_55, %dma_start3A_56] : memref<640x128xf32, #tpu.memory_space<vmem_shared>> -> memref<640x128xf32, #tpu.memory_space<vmem_shared>>
        tpu.enqueue_indirect_dma source(%dma_start3A_54 : memref<80x128xf32, #tpu.memory_space<vmem>>) target(%dma_start3A_57 : memref<640x128xf32, #tpu.memory_space<vmem_shared>>) offsets(%arg8 : memref<80xi32, #tpu.memory_space<vmem>>) semaphore(%run_scoped3A : memref<!tpu.dma_semaphore, #tpu.memory_space<semaphore_mem>>) {add = true}
        %dma_wait3A = arith.constant 0 : i32
        %dma_wait3A_58 = arith.constant 0 : i32
        %dma_wait3A_59 = tpu.memref_slice %arg7[%dma_wait3A, %dma_wait3A_58] : memref<400x128xf32, #tpu.memory_space<vmem>> -> memref<80x128xf32, #tpu.memory_space<vmem>>
        %dma_wait3A_60 = arith.constant 0 : i32
        %dma_wait3A_61 = arith.constant 0 : i32
        %dma_wait3A_62 = tpu.memref_slice %arg12[%dma_wait3A_60, %dma_wait3A_61] : memref<640x128xf32, #tpu.memory_space<vmem_shared>> -> memref<640x128xf32, #tpu.memory_space<vmem_shared>>
        tpu.wait_indirect_dma semaphore(%run_scoped3A : memref<!tpu.dma_semaphore, #tpu.memory_space<semaphore_mem>>) src(%dma_wait3A_59 : memref<80x128xf32, #tpu.memory_space<vmem>>) dst(%dma_wait3A_62 : memref<640x128xf32, #tpu.memory_space<vmem_shared>>)
        tpu.yield
      }) : () -> ()
      %add3A_45 = arith.constant 80 : i32
      %add3A_46 = arith.addi %add3A_27, %add3A_45 : i32
      "tpu.region"() ({
        %run_scoped3A = tpu.sem_alloc : memref<!tpu.dma_semaphore, #tpu.memory_space<semaphore_mem>>
        %dma_start3A = tpu.memref_slice %arg3[%add3A_46] : memref<320000xi32, #tpu.memory_space<hbm>> -> memref<80xi32, #tpu.memory_space<hbm>>
        %dma_start3A_53 = tpu.memref_slice %arg3[%add3A_46] : memref<320000xi32, #tpu.memory_space<hbm>> -> memref<80xi32, #tpu.memory_space<hbm>>
        tpu.enqueue_dma source(%dma_start3A_53 : memref<80xi32, #tpu.memory_space<hbm>>) target(%arg8 : memref<80xi32, #tpu.memory_space<vmem>>) target_semaphore(%run_scoped3A : memref<!tpu.dma_semaphore, #tpu.memory_space<semaphore_mem>>)
        %dma_wait3A = tpu.memref_slice %arg3[%add3A_46] : memref<320000xi32, #tpu.memory_space<hbm>> -> memref<80xi32, #tpu.memory_space<hbm>>
        %dma_wait3A_54 = tpu.memref_slice %arg3[%add3A_46] : memref<320000xi32, #tpu.memory_space<hbm>> -> memref<80xi32, #tpu.memory_space<hbm>>
        tpu.wait_dma2 semaphore(%run_scoped3A : memref<!tpu.dma_semaphore, #tpu.memory_space<semaphore_mem>>) src(%dma_wait3A_54 : memref<80xi32, #tpu.memory_space<hbm>>) dst(%arg8 : memref<80xi32, #tpu.memory_space<vmem>>)
        tpu.yield
      }) : () -> ()
      "tpu.region"() ({
        %run_scoped3A = tpu.sem_alloc : memref<!tpu.dma_semaphore, #tpu.memory_space<semaphore_mem>>
        %dma_start3A = arith.constant 80 : i32
        %dma_start3A_53 = arith.constant 0 : i32
        %dma_start3A_54 = tpu.memref_slice %arg7[%dma_start3A, %dma_start3A_53] : memref<400x128xf32, #tpu.memory_space<vmem>> -> memref<80x128xf32, #tpu.memory_space<vmem>>
        %dma_start3A_55 = arith.constant 0 : i32
        %dma_start3A_56 = arith.constant 0 : i32
        %dma_start3A_57 = tpu.memref_slice %arg12[%dma_start3A_55, %dma_start3A_56] : memref<640x128xf32, #tpu.memory_space<vmem_shared>> -> memref<640x128xf32, #tpu.memory_space<vmem_shared>>
        tpu.enqueue_indirect_dma source(%dma_start3A_54 : memref<80x128xf32, #tpu.memory_space<vmem>>) target(%dma_start3A_57 : memref<640x128xf32, #tpu.memory_space<vmem_shared>>) offsets(%arg8 : memref<80xi32, #tpu.memory_space<vmem>>) semaphore(%run_scoped3A : memref<!tpu.dma_semaphore, #tpu.memory_space<semaphore_mem>>) {add = true}
        %dma_wait3A = arith.constant 80 : i32
        %dma_wait3A_58 = arith.constant 0 : i32
        %dma_wait3A_59 = tpu.memref_slice %arg7[%dma_wait3A, %dma_wait3A_58] : memref<400x128xf32, #tpu.memory_space<vmem>> -> memref<80x128xf32, #tpu.memory_space<vmem>>
        %dma_wait3A_60 = arith.constant 0 : i32
        %dma_wait3A_61 = arith.constant 0 : i32
        %dma_wait3A_62 = tpu.memref_slice %arg12[%dma_wait3A_60, %dma_wait3A_61] : memref<640x128xf32, #tpu.memory_space<vmem_shared>> -> memref<640x128xf32, #tpu.memory_space<vmem_shared>>
        tpu.wait_indirect_dma semaphore(%run_scoped3A : memref<!tpu.dma_semaphore, #tpu.memory_space<semaphore_mem>>) src(%dma_wait3A_59 : memref<80x128xf32, #tpu.memory_space<vmem>>) dst(%dma_wait3A_62 : memref<640x128xf32, #tpu.memory_space<vmem_shared>>)
        tpu.yield
      }) : () -> ()
      %add3A_47 = arith.constant 160 : i32
      %add3A_48 = arith.addi %add3A_27, %add3A_47 : i32
      "tpu.region"() ({
        %run_scoped3A = tpu.sem_alloc : memref<!tpu.dma_semaphore, #tpu.memory_space<semaphore_mem>>
        %dma_start3A = tpu.memref_slice %arg3[%add3A_48] : memref<320000xi32, #tpu.memory_space<hbm>> -> memref<80xi32, #tpu.memory_space<hbm>>
        %dma_start3A_53 = tpu.memref_slice %arg3[%add3A_48] : memref<320000xi32, #tpu.memory_space<hbm>> -> memref<80xi32, #tpu.memory_space<hbm>>
        tpu.enqueue_dma source(%dma_start3A_53 : memref<80xi32, #tpu.memory_space<hbm>>) target(%arg8 : memref<80xi32, #tpu.memory_space<vmem>>) target_semaphore(%run_scoped3A : memref<!tpu.dma_semaphore, #tpu.memory_space<semaphore_mem>>)
        %dma_wait3A = tpu.memref_slice %arg3[%add3A_48] : memref<320000xi32, #tpu.memory_space<hbm>> -> memref<80xi32, #tpu.memory_space<hbm>>
        %dma_wait3A_54 = tpu.memref_slice %arg3[%add3A_48] : memref<320000xi32, #tpu.memory_space<hbm>> -> memref<80xi32, #tpu.memory_space<hbm>>
        tpu.wait_dma2 semaphore(%run_scoped3A : memref<!tpu.dma_semaphore, #tpu.memory_space<semaphore_mem>>) src(%dma_wait3A_54 : memref<80xi32, #tpu.memory_space<hbm>>) dst(%arg8 : memref<80xi32, #tpu.memory_space<vmem>>)
        tpu.yield
      }) : () -> ()
      "tpu.region"() ({
        %run_scoped3A = tpu.sem_alloc : memref<!tpu.dma_semaphore, #tpu.memory_space<semaphore_mem>>
        %dma_start3A = arith.constant 160 : i32
        %dma_start3A_53 = arith.constant 0 : i32
        %dma_start3A_54 = tpu.memref_slice %arg7[%dma_start3A, %dma_start3A_53] : memref<400x128xf32, #tpu.memory_space<vmem>> -> memref<80x128xf32, #tpu.memory_space<vmem>>
        %dma_start3A_55 = arith.constant 0 : i32
        %dma_start3A_56 = arith.constant 0 : i32
        %dma_start3A_57 = tpu.memref_slice %arg12[%dma_start3A_55, %dma_start3A_56] : memref<640x128xf32, #tpu.memory_space<vmem_shared>> -> memref<640x128xf32, #tpu.memory_space<vmem_shared>>
        tpu.enqueue_indirect_dma source(%dma_start3A_54 : memref<80x128xf32, #tpu.memory_space<vmem>>) target(%dma_start3A_57 : memref<640x128xf32, #tpu.memory_space<vmem_shared>>) offsets(%arg8 : memref<80xi32, #tpu.memory_space<vmem>>) semaphore(%run_scoped3A : memref<!tpu.dma_semaphore, #tpu.memory_space<semaphore_mem>>) {add = true}
        %dma_wait3A = arith.constant 160 : i32
        %dma_wait3A_58 = arith.constant 0 : i32
        %dma_wait3A_59 = tpu.memref_slice %arg7[%dma_wait3A, %dma_wait3A_58] : memref<400x128xf32, #tpu.memory_space<vmem>> -> memref<80x128xf32, #tpu.memory_space<vmem>>
        %dma_wait3A_60 = arith.constant 0 : i32
        %dma_wait3A_61 = arith.constant 0 : i32
        %dma_wait3A_62 = tpu.memref_slice %arg12[%dma_wait3A_60, %dma_wait3A_61] : memref<640x128xf32, #tpu.memory_space<vmem_shared>> -> memref<640x128xf32, #tpu.memory_space<vmem_shared>>
        tpu.wait_indirect_dma semaphore(%run_scoped3A : memref<!tpu.dma_semaphore, #tpu.memory_space<semaphore_mem>>) src(%dma_wait3A_59 : memref<80x128xf32, #tpu.memory_space<vmem>>) dst(%dma_wait3A_62 : memref<640x128xf32, #tpu.memory_space<vmem_shared>>)
        tpu.yield
      }) : () -> ()
      %add3A_49 = arith.constant 240 : i32
      %add3A_50 = arith.addi %add3A_27, %add3A_49 : i32
      "tpu.region"() ({
        %run_scoped3A = tpu.sem_alloc : memref<!tpu.dma_semaphore, #tpu.memory_space<semaphore_mem>>
        %dma_start3A = tpu.memref_slice %arg3[%add3A_50] : memref<320000xi32, #tpu.memory_space<hbm>> -> memref<80xi32, #tpu.memory_space<hbm>>
        %dma_start3A_53 = tpu.memref_slice %arg3[%add3A_50] : memref<320000xi32, #tpu.memory_space<hbm>> -> memref<80xi32, #tpu.memory_space<hbm>>
        tpu.enqueue_dma source(%dma_start3A_53 : memref<80xi32, #tpu.memory_space<hbm>>) target(%arg8 : memref<80xi32, #tpu.memory_space<vmem>>) target_semaphore(%run_scoped3A : memref<!tpu.dma_semaphore, #tpu.memory_space<semaphore_mem>>)
        %dma_wait3A = tpu.memref_slice %arg3[%add3A_50] : memref<320000xi32, #tpu.memory_space<hbm>> -> memref<80xi32, #tpu.memory_space<hbm>>
        %dma_wait3A_54 = tpu.memref_slice %arg3[%add3A_50] : memref<320000xi32, #tpu.memory_space<hbm>> -> memref<80xi32, #tpu.memory_space<hbm>>
        tpu.wait_dma2 semaphore(%run_scoped3A : memref<!tpu.dma_semaphore, #tpu.memory_space<semaphore_mem>>) src(%dma_wait3A_54 : memref<80xi32, #tpu.memory_space<hbm>>) dst(%arg8 : memref<80xi32, #tpu.memory_space<vmem>>)
        tpu.yield
      }) : () -> ()
      "tpu.region"() ({
        %run_scoped3A = tpu.sem_alloc : memref<!tpu.dma_semaphore, #tpu.memory_space<semaphore_mem>>
        %dma_start3A = arith.constant 240 : i32
        %dma_start3A_53 = arith.constant 0 : i32
        %dma_start3A_54 = tpu.memref_slice %arg7[%dma_start3A, %dma_start3A_53] : memref<400x128xf32, #tpu.memory_space<vmem>> -> memref<80x128xf32, #tpu.memory_space<vmem>>
        %dma_start3A_55 = arith.constant 0 : i32
        %dma_start3A_56 = arith.constant 0 : i32
        %dma_start3A_57 = tpu.memref_slice %arg12[%dma_start3A_55, %dma_start3A_56] : memref<640x128xf32, #tpu.memory_space<vmem_shared>> -> memref<640x128xf32, #tpu.memory_space<vmem_shared>>
        tpu.enqueue_indirect_dma source(%dma_start3A_54 : memref<80x128xf32, #tpu.memory_space<vmem>>) target(%dma_start3A_57 : memref<640x128xf32, #tpu.memory_space<vmem_shared>>) offsets(%arg8 : memref<80xi32, #tpu.memory_space<vmem>>) semaphore(%run_scoped3A : memref<!tpu.dma_semaphore, #tpu.memory_space<semaphore_mem>>) {add = true}
        %dma_wait3A = arith.constant 240 : i32
        %dma_wait3A_58 = arith.constant 0 : i32
        %dma_wait3A_59 = tpu.memref_slice %arg7[%dma_wait3A, %dma_wait3A_58] : memref<400x128xf32, #tpu.memory_space<vmem>> -> memref<80x128xf32, #tpu.memory_space<vmem>>
        %dma_wait3A_60 = arith.constant 0 : i32
        %dma_wait3A_61 = arith.constant 0 : i32
        %dma_wait3A_62 = tpu.memref_slice %arg12[%dma_wait3A_60, %dma_wait3A_61] : memref<640x128xf32, #tpu.memory_space<vmem_shared>> -> memref<640x128xf32, #tpu.memory_space<vmem_shared>>
        tpu.wait_indirect_dma semaphore(%run_scoped3A : memref<!tpu.dma_semaphore, #tpu.memory_space<semaphore_mem>>) src(%dma_wait3A_59 : memref<80x128xf32, #tpu.memory_space<vmem>>) dst(%dma_wait3A_62 : memref<640x128xf32, #tpu.memory_space<vmem_shared>>)
        tpu.yield
      }) : () -> ()
      %add3A_51 = arith.constant 320 : i32
      %add3A_52 = arith.addi %add3A_27, %add3A_51 : i32
      "tpu.region"() ({
        %run_scoped3A = tpu.sem_alloc : memref<!tpu.dma_semaphore, #tpu.memory_space<semaphore_mem>>
        %dma_start3A = tpu.memref_slice %arg3[%add3A_52] : memref<320000xi32, #tpu.memory_space<hbm>> -> memref<80xi32, #tpu.memory_space<hbm>>
        %dma_start3A_53 = tpu.memref_slice %arg3[%add3A_52] : memref<320000xi32, #tpu.memory_space<hbm>> -> memref<80xi32, #tpu.memory_space<hbm>>
        tpu.enqueue_dma source(%dma_start3A_53 : memref<80xi32, #tpu.memory_space<hbm>>) target(%arg8 : memref<80xi32, #tpu.memory_space<vmem>>) target_semaphore(%run_scoped3A : memref<!tpu.dma_semaphore, #tpu.memory_space<semaphore_mem>>)
        %dma_wait3A = tpu.memref_slice %arg3[%add3A_52] : memref<320000xi32, #tpu.memory_space<hbm>> -> memref<80xi32, #tpu.memory_space<hbm>>
        %dma_wait3A_54 = tpu.memref_slice %arg3[%add3A_52] : memref<320000xi32, #tpu.memory_space<hbm>> -> memref<80xi32, #tpu.memory_space<hbm>>
        tpu.wait_dma2 semaphore(%run_scoped3A : memref<!tpu.dma_semaphore, #tpu.memory_space<semaphore_mem>>) src(%dma_wait3A_54 : memref<80xi32, #tpu.memory_space<hbm>>) dst(%arg8 : memref<80xi32, #tpu.memory_space<vmem>>)
        tpu.yield
      }) : () -> ()
      "tpu.region"() ({
        %run_scoped3A = tpu.sem_alloc : memref<!tpu.dma_semaphore, #tpu.memory_space<semaphore_mem>>
        %dma_start3A = arith.constant 320 : i32
        %dma_start3A_53 = arith.constant 0 : i32
        %dma_start3A_54 = tpu.memref_slice %arg7[%dma_start3A, %dma_start3A_53] : memref<400x128xf32, #tpu.memory_space<vmem>> -> memref<80x128xf32, #tpu.memory_space<vmem>>
        %dma_start3A_55 = arith.constant 0 : i32
        %dma_start3A_56 = arith.constant 0 : i32
        %dma_start3A_57 = tpu.memref_slice %arg12[%dma_start3A_55, %dma_start3A_56] : memref<640x128xf32, #tpu.memory_space<vmem_shared>> -> memref<640x128xf32, #tpu.memory_space<vmem_shared>>
        tpu.enqueue_indirect_dma source(%dma_start3A_54 : memref<80x128xf32, #tpu.memory_space<vmem>>) target(%dma_start3A_57 : memref<640x128xf32, #tpu.memory_space<vmem_shared>>) offsets(%arg8 : memref<80xi32, #tpu.memory_space<vmem>>) semaphore(%run_scoped3A : memref<!tpu.dma_semaphore, #tpu.memory_space<semaphore_mem>>) {add = true}
        %dma_wait3A = arith.constant 320 : i32
        %dma_wait3A_58 = arith.constant 0 : i32
        %dma_wait3A_59 = tpu.memref_slice %arg7[%dma_wait3A, %dma_wait3A_58] : memref<400x128xf32, #tpu.memory_space<vmem>> -> memref<80x128xf32, #tpu.memory_space<vmem>>
        %dma_wait3A_60 = arith.constant 0 : i32
        %dma_wait3A_61 = arith.constant 0 : i32
        %dma_wait3A_62 = tpu.memref_slice %arg12[%dma_wait3A_60, %dma_wait3A_61] : memref<640x128xf32, #tpu.memory_space<vmem_shared>> -> memref<640x128xf32, #tpu.memory_space<vmem_shared>>
        tpu.wait_indirect_dma semaphore(%run_scoped3A : memref<!tpu.dma_semaphore, #tpu.memory_space<semaphore_mem>>) src(%dma_wait3A_59 : memref<80x128xf32, #tpu.memory_space<vmem>>) dst(%dma_wait3A_62 : memref<640x128xf32, #tpu.memory_space<vmem_shared>>)
        tpu.yield
      }) : () -> ()
    }
    %scan3A_18 = arith.constant 25 : i32
    %barrier3A_19 = arith.constant 0 : index
    tpu.barrier barrier_id(%barrier3A_19)
    "tpu.region"() ({
      %run_scoped3A = tpu.sem_alloc : memref<!tpu.dma_semaphore, #tpu.memory_space<semaphore_mem>>
      %dma_start3A = arith.constant 0 : i32
      %dma_start3A_20 = tpu.memref_slice %arg4[%arg0, %mul3A_13, %dma_start3A] : memref<2x640x128xf32, #tpu.memory_space<hbm>> -> memref<1x40x128xf32, #tpu.memory_space<hbm>>
      %dma_start3A_21 = tpu.memref_squeeze %dma_start3A_20 : memref<1x40x128xf32, #tpu.memory_space<hbm>> -> memref<40x128xf32, #tpu.memory_space<hbm>>
      %dma_start3A_22 = arith.constant 0 : i32
      %dma_start3A_23 = tpu.memref_slice %arg11[%mul3A_13, %dma_start3A_22] : memref<640x128xf32, #tpu.memory_space<vmem_shared>> -> memref<40x128xf32, #tpu.memory_space<vmem_shared>>
      tpu.enqueue_dma source(%dma_start3A_23 : memref<40x128xf32, #tpu.memory_space<vmem_shared>>) target(%dma_start3A_21 : memref<40x128xf32, #tpu.memory_space<hbm>>) target_semaphore(%run_scoped3A : memref<!tpu.dma_semaphore, #tpu.memory_space<semaphore_mem>>)
      %dma_wait3A = arith.constant 0 : i32
      %dma_wait3A_24 = tpu.memref_slice %arg4[%arg0, %mul3A_13, %dma_wait3A] : memref<2x640x128xf32, #tpu.memory_space<hbm>> -> memref<1x40x128xf32, #tpu.memory_space<hbm>>
      %dma_wait3A_25 = tpu.memref_squeeze %dma_wait3A_24 : memref<1x40x128xf32, #tpu.memory_space<hbm>> -> memref<40x128xf32, #tpu.memory_space<hbm>>
      %dma_wait3A_26 = arith.constant 0 : i32
      %dma_wait3A_27 = tpu.memref_slice %arg11[%mul3A_13, %dma_wait3A_26] : memref<640x128xf32, #tpu.memory_space<vmem_shared>> -> memref<40x128xf32, #tpu.memory_space<vmem_shared>>
      tpu.wait_dma2 semaphore(%run_scoped3A : memref<!tpu.dma_semaphore, #tpu.memory_space<semaphore_mem>>) src(%dma_wait3A_27 : memref<40x128xf32, #tpu.memory_space<vmem_shared>>) dst(%dma_wait3A_25 : memref<40x128xf32, #tpu.memory_space<hbm>>)
      tpu.yield
    }) : () -> ()
    "tpu.region"() ({
      %run_scoped3A = tpu.sem_alloc : memref<!tpu.dma_semaphore, #tpu.memory_space<semaphore_mem>>
      %dma_start3A = arith.constant 0 : i32
      %dma_start3A_20 = tpu.memref_slice %arg5[%arg0, %mul3A_13, %dma_start3A] : memref<2x640x128xf32, #tpu.memory_space<hbm>> -> memref<1x40x128xf32, #tpu.memory_space<hbm>>
      %dma_start3A_21 = tpu.memref_squeeze %dma_start3A_20 : memref<1x40x128xf32, #tpu.memory_space<hbm>> -> memref<40x128xf32, #tpu.memory_space<hbm>>
      %dma_start3A_22 = arith.constant 0 : i32
      %dma_start3A_23 = tpu.memref_slice %arg12[%mul3A_13, %dma_start3A_22] : memref<640x128xf32, #tpu.memory_space<vmem_shared>> -> memref<40x128xf32, #tpu.memory_space<vmem_shared>>
      tpu.enqueue_dma source(%dma_start3A_23 : memref<40x128xf32, #tpu.memory_space<vmem_shared>>) target(%dma_start3A_21 : memref<40x128xf32, #tpu.memory_space<hbm>>) target_semaphore(%run_scoped3A : memref<!tpu.dma_semaphore, #tpu.memory_space<semaphore_mem>>)
      %dma_wait3A = arith.constant 0 : i32
      %dma_wait3A_24 = tpu.memref_slice %arg5[%arg0, %mul3A_13, %dma_wait3A] : memref<2x640x128xf32, #tpu.memory_space<hbm>> -> memref<1x40x128xf32, #tpu.memory_space<hbm>>
      %dma_wait3A_25 = tpu.memref_squeeze %dma_wait3A_24 : memref<1x40x128xf32, #tpu.memory_space<hbm>> -> memref<40x128xf32, #tpu.memory_space<hbm>>
      %dma_wait3A_26 = arith.constant 0 : i32
      %dma_wait3A_27 = tpu.memref_slice %arg12[%mul3A_13, %dma_wait3A_26] : memref<640x128xf32, #tpu.memory_space<vmem_shared>> -> memref<40x128xf32, #tpu.memory_space<vmem_shared>>
      tpu.wait_dma2 semaphore(%run_scoped3A : memref<!tpu.dma_semaphore, #tpu.memory_space<semaphore_mem>>) src(%dma_wait3A_27 : memref<40x128xf32, #tpu.memory_space<vmem_shared>>) dst(%dma_wait3A_25 : memref<40x128xf32, #tpu.memory_space<hbm>>)
      tpu.yield
    }) : () -> ()
    "tpu.region"() ({
      %run_scoped3A = tpu.sem_alloc : memref<!tpu.dma_semaphore, #tpu.memory_space<semaphore_mem>>
      %dma_start3A = arith.constant 0 : i32
      %dma_start3A_20 = tpu.memref_slice %arg6[%arg0, %mul3A_13, %dma_start3A] : memref<2x640x128xf32, #tpu.memory_space<hbm>> -> memref<1x40x128xf32, #tpu.memory_space<hbm>>
      %dma_start3A_21 = tpu.memref_squeeze %dma_start3A_20 : memref<1x40x128xf32, #tpu.memory_space<hbm>> -> memref<40x128xf32, #tpu.memory_space<hbm>>
      %dma_start3A_22 = arith.constant 0 : i32
      %dma_start3A_23 = tpu.memref_slice %arg13[%mul3A_13, %dma_start3A_22] : memref<640x128xf32, #tpu.memory_space<vmem_shared>> -> memref<40x128xf32, #tpu.memory_space<vmem_shared>>
      tpu.enqueue_dma source(%dma_start3A_23 : memref<40x128xf32, #tpu.memory_space<vmem_shared>>) target(%dma_start3A_21 : memref<40x128xf32, #tpu.memory_space<hbm>>) target_semaphore(%run_scoped3A : memref<!tpu.dma_semaphore, #tpu.memory_space<semaphore_mem>>)
      %dma_wait3A = arith.constant 0 : i32
      %dma_wait3A_24 = tpu.memref_slice %arg6[%arg0, %mul3A_13, %dma_wait3A] : memref<2x640x128xf32, #tpu.memory_space<hbm>> -> memref<1x40x128xf32, #tpu.memory_space<hbm>>
      %dma_wait3A_25 = tpu.memref_squeeze %dma_wait3A_24 : memref<1x40x128xf32, #tpu.memory_space<hbm>> -> memref<40x128xf32, #tpu.memory_space<hbm>>
      %dma_wait3A_26 = arith.constant 0 : i32
      %dma_wait3A_27 = tpu.memref_slice %arg13[%mul3A_13, %dma_wait3A_26] : memref<640x128xf32, #tpu.memory_space<vmem_shared>> -> memref<40x128xf32, #tpu.memory_space<vmem_shared>>
      tpu.wait_dma2 semaphore(%run_scoped3A : memref<!tpu.dma_semaphore, #tpu.memory_space<semaphore_mem>>) src(%dma_wait3A_27 : memref<40x128xf32, #tpu.memory_space<vmem_shared>>) dst(%dma_wait3A_25 : memref<40x128xf32, #tpu.memory_space<hbm>>)
      tpu.yield
    }) : () -> ()
    return
  }
}

module attributes {stable_mosaic.version = 14 : i64} {
  func.func @_norm_kernel(%arg0: i32, %arg1: memref<6400x128xf32, #tpu.memory_space<vmem>>, %arg2: memref<1x1x6400xi32, #tpu.memory_space<vmem>>, %arg3: memref<640x256xbf16, #tpu.memory_space<vmem>>, %arg4: memref<6400x128xf32, #tpu.memory_space<vmem>>) attributes {dimension_semantics = [#tpu.dimension_semantics<arbitrary>], iteration_bounds = array<i64: 50>, scalar_prefetch = 0 : i64, scratch_operands = 0 : i64, tpu.core_type = #tpu.core_type<tc>, window_params = [{transform_indices = @transform_0, window_bounds = array<i64: 6400, 128>}, {transform_indices = @transform_1, window_bounds = array<i64: 1, 1, 6400>}, {pipeline_mode = #tpu.pipeline_mode<synchronous>, transform_indices = @transform_2, window_bounds = array<i64: 640, 256>}, {transform_indices = @transform_3, window_bounds = array<i64: 6400, 128>}]} {
    %get3A = arith.constant 0 : index
    %get3A_0 = arith.constant 0 : index
    %get3A_1 = arith.constant 0 : index
    %get3A_2 = vector.load %arg2[%get3A, %get3A_0, %get3A_1] : memref<1x1x6400xi32, #tpu.memory_space<vmem>>, vector<1x1x6400xi32>
    %get3A_3 = vector.shape_cast %get3A_2 : vector<1x1x6400xi32> to vector<6400xi32>
    %slice3A = vector.extract_strided_slice %get3A_3 {offsets = [0], sizes = [1], strides = [1]} : vector<6400xi32> to vector<1xi32>
    %squeeze3A = vector.extract %slice3A[0] : i32 from vector<1xi32>
    %jit3A = arith.constant 16 : i32
    %div3A = arith.divsi %squeeze3A, %jit3A : i32
    %sign3A = arith.constant 0 : i32
    %sign3A_4 = arith.cmpi sgt, %squeeze3A, %sign3A : i32
    %sign3A_5 = arith.extui %sign3A_4 : i1 to i32
    %sign3A_6 = arith.constant 0 : i32
    %sign3A_7 = arith.cmpi slt, %squeeze3A, %sign3A_6 : i32
    %sign3A_8 = arith.extui %sign3A_7 : i1 to i32
    %sign3A_9 = arith.subi %sign3A_5, %sign3A_8 : i32
    %sign3A_10 = arith.constant 0 : i32
    %sign3A_11 = arith.cmpi sgt, %jit3A, %sign3A_10 : i32
    %sign3A_12 = arith.extui %sign3A_11 : i1 to i32
    %sign3A_13 = arith.constant 0 : i32
    %sign3A_14 = arith.cmpi slt, %jit3A, %sign3A_13 : i32
    %sign3A_15 = arith.extui %sign3A_14 : i1 to i32
    %sign3A_16 = arith.subi %sign3A_12, %sign3A_15 : i32
    %ne3A = arith.cmpi ne, %sign3A_9, %sign3A_16 : i32
    %rem3A = arith.remsi %squeeze3A, %jit3A : i32
    %ne3A_17 = arith.constant 0 : i32
    %ne3A_18 = arith.cmpi ne, %rem3A, %ne3A_17 : i32
    %and3A = arith.andi %ne3A, %ne3A_18 : i1
    %sub3A = arith.constant 1 : i32
    %sub3A_19 = arith.subi %div3A, %sub3A : i32
    %select_n3A = arith.select %and3A, %sub3A_19, %div3A : i32
    %mul3A = arith.constant 16 : i32
    %mul3A_20 = arith.muli %select_n3A, %mul3A : i32
    %slice3A_21 = vector.extract_strided_slice %get3A_3 {offsets = [6399], sizes = [1], strides = [1]} : vector<6400xi32> to vector<1xi32>
    %squeeze3A_22 = vector.extract %slice3A_21[0] : i32 from vector<1xi32>
    %get3A_23 = arith.constant 0 : index
    %get3A_24 = arith.constant 0 : index
    %get3A_25 = vector.load %arg1[%get3A_23, %get3A_24] : memref<6400x128xf32, #tpu.memory_space<vmem>>, vector<6400x128xf32>
    %sub3A_26 = arith.subi %squeeze3A_22, %mul3A_20 : i32
    %lt3A = arith.constant 32 : i32
    %lt3A_27 = arith.cmpi slt, %sub3A_26, %lt3A : i32
    %convert_element_type3A = arith.extui %lt3A_27 : i1 to i32
    %cond3A = arith.constant 0 : i32
    %cond3A_28 = arith.cmpi ne, %convert_element_type3A, %cond3A : i32
    scf.if %cond3A_28 {
      %get3A_33 = arith.index_cast %mul3A_20 : i32 to index
      %get3A_34 = arith.constant 0 : index
      %get3A_35 = vector.load %arg3[%get3A_33, %get3A_34] : memref<640x256xbf16, #tpu.memory_space<vmem>>, vector<32x256xbf16>
      %iota3A = tpu.iota {dimensions = array<i32: 1>} : vector<6400x32xi32>
      %broadcast_in_dim3A = vector.shape_cast %get3A_3 : vector<6400xi32> to vector<6400x1xi32>
      %sub3A_36 = vector.broadcast %mul3A_20 : i32 to vector<6400x1xi32>
      %sub3A_37 = arith.subi %broadcast_in_dim3A, %sub3A_36 : vector<6400x1xi32>
      %eq3A = vector.broadcast %sub3A_37 : vector<6400x1xi32> to vector<6400x32xi32>
      %eq3A_38 = arith.cmpi eq, %eq3A, %iota3A : vector<6400x32xi32>
      %convert_element_type3A_39 = arith.extui %eq3A_38 : vector<6400x32xi1> to vector<6400x32xi32>
      %convert_element_type3A_40 = arith.sitofp %convert_element_type3A_39 : vector<6400x32xi32> to vector<6400x32xf32>
      %convert_element_type3A_41 = arith.truncf %convert_element_type3A_40 : vector<6400x32xf32> to vector<6400x32xbf16>
      %dot_general3A = arith.constant dense<0.000000e+00> : vector<6400x256xf32>
      %dot_general3A_42 = tpu.matmul %convert_element_type3A_41, %get3A_35, %dot_general3A {dimension_numbers = #tpu.dot_dimension_numbers<[1], [0], [0], [1], [0, 0, 1, 1], [], []>, transpose_lhs_hint = false} : vector<6400x32xbf16>, vector<32x256xbf16>, vector<6400x256xf32> -> vector<6400x256xf32>
      %slice3A_43 = vector.extract_strided_slice %dot_general3A_42 {offsets = [0, 0], sizes = [6400, 128], strides = [1, 1]} : vector<6400x256xf32> to vector<6400x128xf32>
      %sub3A_44 = arith.subf %get3A_25, %slice3A_43 : vector<6400x128xf32>
      %slice3A_45 = vector.extract_strided_slice %dot_general3A_42 {offsets = [0, 128], sizes = [6400, 128], strides = [1, 1]} : vector<6400x256xf32> to vector<6400x128xf32>
      %mul3A_46 = arith.mulf %sub3A_44, %slice3A_45 : vector<6400x128xf32>
      %swap3A = arith.constant 0 : index
      %swap3A_47 = arith.constant 0 : index
      %swap3A_48 = vector.load %arg4[%swap3A, %swap3A_47] : memref<6400x128xf32, #tpu.memory_space<vmem>>, vector<6400x128xf32>
      tpu.vector_store %arg4[%swap3A, %swap3A_47], %mul3A_46 {strides = array<i32>} : memref<6400x128xf32, #tpu.memory_space<vmem>>, vector<6400x128xf32>,
    } else {
    }
    %not3A = arith.constant true
    %not3A_29 = arith.xori %lt3A_27, %not3A : i1
    %convert_element_type3A_30 = arith.extui %not3A_29 : i1 to i32
    %cond3A_31 = arith.constant 0 : i32
    %cond3A_32 = arith.cmpi ne, %convert_element_type3A_30, %cond3A_31 : i32
    scf.if %cond3A_32 {
      %get3A_33 = arith.constant 0 : index
      %get3A_34 = arith.constant 0 : index
      %get3A_35 = vector.load %arg3[%get3A_33, %get3A_34] : memref<640x256xbf16, #tpu.memory_space<vmem>>, vector<512x256xbf16>
      %iota3A = tpu.iota {dimensions = array<i32: 1>} : vector<6400x512xi32>
      %broadcast_in_dim3A = vector.shape_cast %get3A_3 : vector<6400xi32> to vector<6400x1xi32>
      %eq3A = vector.broadcast %broadcast_in_dim3A : vector<6400x1xi32> to vector<6400x512xi32>
      %eq3A_36 = arith.cmpi eq, %eq3A, %iota3A : vector<6400x512xi32>
      %convert_element_type3A_37 = arith.extui %eq3A_36 : vector<6400x512xi1> to vector<6400x512xi32>
      %convert_element_type3A_38 = arith.sitofp %convert_element_type3A_37 : vector<6400x512xi32> to vector<6400x512xf32>
      %convert_element_type3A_39 = arith.truncf %convert_element_type3A_38 : vector<6400x512xf32> to vector<6400x512xbf16>
      %dot_general3A = arith.constant dense<0.000000e+00> : vector<6400x256xf32>
      %dot_general3A_40 = tpu.matmul %convert_element_type3A_39, %get3A_35, %dot_general3A {dimension_numbers = #tpu.dot_dimension_numbers<[1], [0], [0], [1], [0, 0, 1, 1], [], []>, transpose_lhs_hint = false} : vector<6400x512xbf16>, vector<512x256xbf16>, vector<6400x256xf32> -> vector<6400x256xf32>
      %slice3A_41 = vector.extract_strided_slice %dot_general3A_40 {offsets = [0, 0], sizes = [6400, 128], strides = [1, 1]} : vector<6400x256xf32> to vector<6400x128xf32>
      %sub3A_42 = arith.subf %get3A_25, %slice3A_41 : vector<6400x128xf32>
      %slice3A_43 = vector.extract_strided_slice %dot_general3A_40 {offsets = [0, 128], sizes = [6400, 128], strides = [1, 1]} : vector<6400x256xf32> to vector<6400x128xf32>
      %mul3A_44 = arith.mulf %sub3A_42, %slice3A_43 : vector<6400x128xf32>
      %swap3A = arith.constant 0 : index
      %swap3A_45 = arith.constant 0 : index
      %swap3A_46 = vector.load %arg4[%swap3A, %swap3A_45] : memref<6400x128xf32, #tpu.memory_space<vmem>>, vector<6400x128xf32>
      tpu.vector_store %arg4[%swap3A, %swap3A_45], %mul3A_44 {strides = array<i32>} : memref<6400x128xf32, #tpu.memory_space<vmem>>, vector<6400x128xf32>,
    } else {
    }
    return
  }
  func.func @transform_0(%arg0: i32) -> (i32, i32) {
    %c0_i32 = arith.constant 0 : i32
    %c0_i32_0 = arith.constant 0 : i32
    return %arg0, %c0_i32 : i32, i32
  }
  func.func @transform_1(%arg0: i32) -> (i32, i32, i32) {
    %c0_i32 = arith.constant 0 : i32
    %c0_i32_0 = arith.constant 0 : i32
    %c0_i32_1 = arith.constant 0 : i32
    return %arg0, %c0_i32, %c0_i32_0 : i32, i32, i32
  }
  func.func @transform_2(%arg0: i32) -> (i32, i32) {
    %c0_i32 = arith.constant 0 : i32
    %c0_i32_0 = arith.constant 0 : i32
    %c0_i32_1 = arith.constant 0 : i32
    return %c0_i32, %c0_i32_0 : i32, i32
  }
  func.func @transform_3(%arg0: i32) -> (i32, i32) {
    %c0_i32 = arith.constant 0 : i32
    %c0_i32_0 = arith.constant 0 : i32
    return %arg0, %c0_i32 : i32, i32
  }
}

module attributes {stable_mosaic.version = 14 : i64} {
  func.func @_finalize_kernel(%arg0: memref<2x640x128xf32, #tpu.memory_space<vmem>>, %arg1: memref<2x640x128xf32, #tpu.memory_space<vmem>>, %arg2: memref<2x640x128xf32, #tpu.memory_space<vmem>>, %arg3: memref<640x256xbf16, #tpu.memory_space<vmem>>) attributes {dimension_semantics = [], scalar_prefetch = 0 : i64, scratch_operands = 0 : i64, tpu.core_type = #tpu.core_type<tc>} {
    %get3A = arith.constant 0 : index
    %get3A_0 = arith.constant 0 : index
    %get3A_1 = arith.constant 0 : index
    %get3A_2 = vector.load %arg0[%get3A, %get3A_0, %get3A_1] : memref<2x640x128xf32, #tpu.memory_space<vmem>>, vector<1x640x128xf32>
    %get3A_3 = vector.shape_cast %get3A_2 : vector<1x640x128xf32> to vector<640x128xf32>
    %get3A_4 = arith.constant 1 : index
    %get3A_5 = arith.constant 0 : index
    %get3A_6 = arith.constant 0 : index
    %get3A_7 = vector.load %arg0[%get3A_4, %get3A_5, %get3A_6] : memref<2x640x128xf32, #tpu.memory_space<vmem>>, vector<1x640x128xf32>
    %get3A_8 = vector.shape_cast %get3A_7 : vector<1x640x128xf32> to vector<640x128xf32>
    %add3A = arith.addf %get3A_3, %get3A_8 : vector<640x128xf32>
    %get3A_9 = arith.constant 0 : index
    %get3A_10 = arith.constant 0 : index
    %get3A_11 = arith.constant 0 : index
    %get3A_12 = vector.load %arg1[%get3A_9, %get3A_10, %get3A_11] : memref<2x640x128xf32, #tpu.memory_space<vmem>>, vector<1x640x128xf32>
    %get3A_13 = vector.shape_cast %get3A_12 : vector<1x640x128xf32> to vector<640x128xf32>
    %get3A_14 = arith.constant 1 : index
    %get3A_15 = arith.constant 0 : index
    %get3A_16 = arith.constant 0 : index
    %get3A_17 = vector.load %arg1[%get3A_14, %get3A_15, %get3A_16] : memref<2x640x128xf32, #tpu.memory_space<vmem>>, vector<1x640x128xf32>
    %get3A_18 = vector.shape_cast %get3A_17 : vector<1x640x128xf32> to vector<640x128xf32>
    %add3A_19 = arith.addf %get3A_13, %get3A_18 : vector<640x128xf32>
    %get3A_20 = arith.constant 0 : index
    %get3A_21 = arith.constant 0 : index
    %get3A_22 = arith.constant 0 : index
    %get3A_23 = vector.load %arg2[%get3A_20, %get3A_21, %get3A_22] : memref<2x640x128xf32, #tpu.memory_space<vmem>>, vector<1x640x128xf32>
    %get3A_24 = vector.shape_cast %get3A_23 : vector<1x640x128xf32> to vector<640x128xf32>
    %get3A_25 = arith.constant 1 : index
    %get3A_26 = arith.constant 0 : index
    %get3A_27 = arith.constant 0 : index
    %get3A_28 = vector.load %arg2[%get3A_25, %get3A_26, %get3A_27] : memref<2x640x128xf32, #tpu.memory_space<vmem>>, vector<1x640x128xf32>
    %get3A_29 = vector.shape_cast %get3A_28 : vector<1x640x128xf32> to vector<640x128xf32>
    %add3A_30 = arith.addf %get3A_24, %get3A_29 : vector<640x128xf32>
    %slice3A = vector.extract_strided_slice %add3A_30 {offsets = [0, 0], sizes = [640, 1], strides = [1, 1]} : vector<640x128xf32> to vector<640x1xf32>
    %max3A = arith.constant 1.000000e+00 : f32
    %max3A_31 = vector.broadcast %max3A : f32 to vector<640x1xf32>
    %max3A_32 = arith.maximumf %slice3A, %max3A_31 : vector<640x1xf32>
    %div3A = vector.broadcast %max3A_32 : vector<640x1xf32> to vector<640x128xf32>
    %div3A_33 = arith.divf %add3A, %div3A : vector<640x128xf32>
    %reduce_sum3A = arith.constant dense<0.000000e+00> : vector<640xf32>
    %reduce_sum3A_34 = vector.multi_reduction <add>, %add3A_19, %reduce_sum3A [1] : vector<640x128xf32> to vector<640xf32>
    %broadcast_in_dim3A = vector.shape_cast %reduce_sum3A_34 : vector<640xf32> to vector<640x1xf32>
    %mul3A = arith.mulf %div3A_33, %div3A_33 : vector<640x128xf32>
    %reduce_sum3A_35 = arith.constant dense<0.000000e+00> : vector<640xf32>
    %reduce_sum3A_36 = vector.multi_reduction <add>, %mul3A, %reduce_sum3A_35 [1] : vector<640x128xf32> to vector<640xf32>
    %broadcast_in_dim3A_37 = vector.shape_cast %reduce_sum3A_36 : vector<640xf32> to vector<640x1xf32>
    %mul3A_38 = arith.mulf %slice3A, %broadcast_in_dim3A_37 : vector<640x1xf32>
    %sub3A = arith.subf %broadcast_in_dim3A, %mul3A_38 : vector<640x1xf32>
    %mul3A_39 = arith.constant 1.280000e+02 : f32
    %mul3A_40 = vector.broadcast %mul3A_39 : f32 to vector<640x1xf32>
    %mul3A_41 = arith.mulf %slice3A, %mul3A_40 : vector<640x1xf32>
    %sub3A_42 = arith.constant 1.000000e+00 : f32
    %sub3A_43 = vector.broadcast %sub3A_42 : f32 to vector<640x1xf32>
    %sub3A_44 = arith.subf %mul3A_41, %sub3A_43 : vector<640x1xf32>
    %div3A_45 = arith.divf %sub3A, %sub3A_44 : vector<640x1xf32>
    %add3A_46 = arith.constant 1.000000e-03 : f32
    %add3A_47 = vector.broadcast %add3A_46 : f32 to vector<640x1xf32>
    %add3A_48 = arith.addf %div3A_45, %add3A_47 : vector<640x1xf32>
    %rsqrt3A = math.rsqrt %add3A_48 : vector<640x1xf32>
    %convert_element_type3A = arith.truncf %div3A_33 : vector<640x128xf32> to vector<640x128xbf16>
    %swap3A = arith.constant 0 : index
    %swap3A_49 = arith.constant 0 : index
    %swap3A_50 = vector.load %arg3[%swap3A, %swap3A_49] : memref<640x256xbf16, #tpu.memory_space<vmem>>, vector<640x128xbf16>
    tpu.vector_store %arg3[%swap3A, %swap3A_49], %convert_element_type3A {strides = array<i32>} : memref<640x256xbf16, #tpu.memory_space<vmem>>, vector<640x128xbf16>,
    %broadcast_in_dim3A_51 = vector.shape_cast %rsqrt3A : vector<640x1xf32> to vector<640x1xf32>
    %broadcast_in_dim3A_52 = vector.broadcast %broadcast_in_dim3A_51 : vector<640x1xf32> to vector<640x128xf32>
    %convert_element_type3A_53 = arith.truncf %broadcast_in_dim3A_52 : vector<640x128xf32> to vector<640x128xbf16>
    %swap3A_54 = arith.constant 0 : index
    %swap3A_55 = arith.constant 128 : index
    %swap3A_56 = vector.load %arg3[%swap3A_54, %swap3A_55] : memref<640x256xbf16, #tpu.memory_space<vmem>>, vector<640x128xbf16>
    tpu.vector_store %arg3[%swap3A_54, %swap3A_55], %convert_element_type3A_53 {strides = array<i32>} : memref<640x256xbf16, #tpu.memory_space<vmem>>, vector<640x128xbf16>,
    return
  }
}

</mosaic_0001>

<sc_bundles>
// kernel: kernel.5.cloned.1.call-start
scs
__scs_entry_jumppad:
0x0: {  	(pc) =	sbr.rel $0x88, $3  }
0x1: {  	(tag) =	ssettag $0x0;
	lr =	simm.s32 $0x1  }
0x2: {  	[smem:$0x3F9F] =	sst lr;
	_ =	strace $0xD0000000  }
0x3: {  	_ = 	snop  }
0x4: {  	_ = 	snop  }
0x5: {  	_ = 	snop  }
0x6: {  	_ = 	snop  }
0x7: {  	_ = 	snop  }
__scs_overlays_trampoline_lowered:
0x8: {  	[smem:$0x3FAE] =	sst s0  }
0x9: {  	[smem:$0x3FAF] =	sst s1  }
0xa: {  	[smem:$0x3FB0] =	sst s2  }
0xb: {  	[smem:$0x3FB1] =	sst s3  }
0xc: {  	[smem:$0x3FB2] =	sst s4  }
0xd: {  	[smem:$0x3FB3] =	sst s5  }
0xe: {  	[smem:$0x3FB4] =	sst s6  }
0xf: {  	[smem:$0x3FB5] =	sst s7  }
0x10: {  	[smem:$0x3FB6] =	sst s8  }
0x11: {  	[smem:$0x3FB7] =	sst s9;
	s0 =	simm.s32 @!p0 $0x0  }
0x12: {  	s1 =	sld [smem:$0x3F9D];
	s0 =	simm.s32 @p0 $0x1  }
0x13: {  	[smem:$0x3FB8] =	sst s0;
	s0 =	simm.s32 @!p1 $0x0  }
0x14: {  	s2 =	sld [smem:$0x3F9C];
	s0 =	simm.s32 @p1 $0x1  }
0x15: {  	[smem:$0x3FB9] =	sst s0;
	s0 =	simm.s32 @!p2 $0x0  }
0x16: {  	s3 =	sld [smem:$0x3FDB];
	s0 =	simm.s32 @p2 $0x1  }
0x17: {  	s4 =	simm.s32 $0x1BF5;
	[smem:$0x3FBB] =	sst s0  }
0x18: {  	s0 =	sld [smem:$0x3F9E];
	_ =	swait.ge [sflag:s4], $0x0  }
0x19: {  	s7 =	sld [smem:$0x3F9F]  }
0x1a: {  	s8 =	sadd.s32 $0xFFFFE003, lr  }
0x1b: {  	s9 =	sadd.s32 $0xFFFFFEF7, lr;
	s5 =	simm.s32 $0xFFFFFFFF;
	p2 =	slt.u32 s8, $0xFFFFF086  }
0x1c: {  	p1 =	slt.u32 s9, $0xF7A;
	s5 =	simm.s32 @!p2 $0x0  }
0x1d: {  	s5 =	simm.s32 @p1 $0x1;
	p0 =	seq.s32 s7, s2  }
0x1e: {  	s7 =	smul.u32 @!p0 $0xF7A, s2;
	p2 =	seq.s32 @!p0 s5, $0x0  }
0x1f: {  	s9 =	smul.u32 $0xF7A, s1;
	s8 =	simm.s32 @!p0 $0x1BF5;
	p2 =	por !p2, p0  }
0x20: {  	[sflag:s8] =	ssyncset.s32 @!p0 $0xFFFFF086;
	s6 =	sadd.s32 @!p0 s3, s7;
	s7 =	simm.s32 @!p0 $0x108  }
0x21: {  	s3 =	sadd.s32 s3, s9;
	s6 =	sadd.s32 @!p0 $0x88, s6;
	s7 =	simm.s32 @p2 $0x1082  }
0x22: {  	[simem:s7], [sflag:s8] =	dma.local @!p0 [hbm:s6], $0xF7A  }
0x23: {  	s9 =	sor.u32 $0xD0000000, s2;
	s6 =	simm.s32 $0x108;
	_ =	swait.ge @!p0 [sflag:s8], $0x0  }
0x24: {  	s3 =	sadd.s32 $0x88, s3;
	s6 =	simm.s32 @!p1 $0x1082;
	[sflag:s4] =	ssyncset.s32 $0xFFFFF086  }
0x25: {  	[simem:s6], [sflag:s4] =	dma.local [hbm:s3], $0xF7A  }
0x26: {  	[smem:$0x3F9F] =	sst s1;
	(tag) =	ssettag s2;
	_ =	strace s9  }
0x27: {  	s1 =	sld [smem:$0x3FAF]  }
0x28: {  	s2 =	sld [smem:$0x3FB0]  }
0x29: {  	s4 =	sld [smem:$0x3FB2]  }
0x2a: {  	p0 =	seq.s32 s5, $0x0;
	s5 =	sld [smem:$0x3FB3]  }
0x2b: {  	s6 =	sld [smem:$0x3FB4]  }
0x2c: {  	s7 =	sld [smem:$0x3FB5]  }
0x2d: {  	s3 =	simm.s32 $0x108;
	s8 =	sld [smem:$0x3FB6]  }
0x2e: {  	s3 =	simm.s32 @!p0 $0x1082;
	s9 =	sld [smem:$0x3FB7]  }
0x2f: {  	lr =	sadd.s32 s0, s3;
	s0 =	sld [smem:$0x3FAE]  }
0x30: {  	s3 =	sld [smem:$0x3FB1]  }
0x31: {  	[smem:$0x3FBA] =	sst s10  }
0x32: {  	s10 =	sld [smem:$0x3FB8];
	_ =	sdelay $0x3  }
0x33: {  	p0 =	seq.s32 s10, $0x1;
	s10 =	sld [smem:$0x3FBA];
	_ =	sdelay $0x3  }
0x34: {  	[smem:$0x3FBA] =	sst s10  }
0x35: {  	s10 =	sld [smem:$0x3FB9];
	_ =	sdelay $0x3  }
0x36: {  	p1 =	seq.s32 s10, $0x1;
	s10 =	sld [smem:$0x3FBA];
	_ =	sdelay $0x3  }
0x37: {  	[smem:$0x3FBA] =	sst s10  }
0x38: {  	s10 =	sld [smem:$0x3FBB]  }
0x39: {  	_ = 	snop;
	(pc) =	sbr.ind lr, $3  }
0x3a: {  	_ = 	snop  }
0x3b: {  	_ = 	snop  }
0x3c: {  	p2 =	seq.s32 s10, $0x1;
	s10 =	sld [smem:$0x3FBA]  }
0x3d: {  	_ =	shalt  }
0x3e: {  	_ =	shalt  }
0x3f: {  	_ =	shalt  }
0x40: {  	_ =	shalt  }
0x41: {  	_ =	shalt  }
0x42: {  	_ =	shalt  }
0x43: {  	_ =	shalt  }
0x44: {  	_ =	shalt  }
0x45: {  	_ =	shalt  }
0x46: {  	_ =	shalt  }
0x47: {  	_ =	shalt  }
0x48: {  	_ =	shalt  }
0x49: {  	_ =	shalt  }
0x4a: {  	_ =	shalt  }
0x4b: {  	_ =	shalt  }
0x4c: {  	_ =	shalt  }
0x4d: {  	_ =	shalt  }
0x4e: {  	_ =	shalt  }
0x4f: {  	_ =	shalt  }
0x50: {  	_ =	shalt  }
0x51: {  	_ =	shalt  }
0x52: {  	_ =	shalt  }
0x53: {  	_ =	shalt  }
0x54: {  	_ =	shalt  }
0x55: {  	_ =	shalt  }
0x56: {  	_ =	shalt  }
0x57: {  	_ =	shalt  }
0x58: {  	_ =	shalt  }
0x59: {  	_ =	shalt  }
0x5a: {  	_ =	shalt  }
0x5b: {  	_ =	shalt  }
0x5c: {  	_ =	shalt  }
0x5d: {  	_ =	shalt  }
0x5e: {  	_ =	shalt  }
0x5f: {  	_ =	shalt  }
0x60: {  	_ =	shalt  }
0x61: {  	_ =	shalt  }
0x62: {  	_ =	shalt  }
0x63: {  	_ =	shalt  }
0x64: {  	_ =	shalt  }
0x65: {  	_ =	shalt  }
0x66: {  	_ =	shalt  }
0x67: {  	_ =	shalt  }
0x68: {  	_ =	shalt  }
0x69: {  	_ =	shalt  }
0x6a: {  	_ =	shalt  }
0x6b: {  	_ =	shalt  }
0x6c: {  	_ =	shalt  }
0x6d: {  	_ =	shalt  }
0x6e: {  	_ =	shalt  }
0x6f: {  	_ =	shalt  }
0x70: {  	_ =	shalt  }
0x71: {  	_ =	shalt  }
0x72: {  	_ =	shalt  }
0x73: {  	_ =	shalt  }
0x74: {  	_ =	shalt  }
0x75: {  	_ =	shalt  }
0x76: {  	_ =	shalt  }
0x77: {  	_ =	shalt  }
0x78: {  	_ =	shalt  }
0x79: {  	_ =	shalt  }
0x7a: {  	_ =	shalt  }
0x7b: {  	_ =	shalt  }
0x7c: {  	_ =	shalt  }
0x7d: {  	_ =	shalt  }
0x7e: {  	_ =	shalt  }
0x7f: {  	_ =	shalt  }
0x80: {  	_ =	shalt  }
0x81: {  	_ =	shalt  }
0x82: {  	_ =	shalt  }
0x83: {  	_ =	shalt  }
0x84: {  	_ =	shalt  }
0x85: {  	_ =	shalt  }
0x86: {  	_ =	shalt  }
0x87: {  	_ =	shalt  }
.Lfunc_end0:
.L_simem_size_0:
called_computation_lowered:
.L_overlay_start_0:
0x88: {  	s2 =	sld [smem:$0x3FD9]  }
0x89: {  	s3 =	sld [smem:$0x3FFE];
	_ =	sdelay $0x1  }
0x8a: {  	s1 =	srdreg.scid  }
0x8b: {  	s0 =	sand.u32 $0x1, s1  }
0x8c: {  	s17 =	sshll.u32 s0, $0xA;
	s2 =	sadd.s32 s3, s2  }
0x8d: {  	s2 =	sadd.s32 s2, s17  }
0x8e: {  	[smem:$0x3FC6] =	sst s2  }
0x8f: {  	_ = 	snop  }
0x90: {  	s2 =	sld [smem:$0x3FC9]  }
0x91: {  	s18 =	sld [smem:$0x3FC8]  }
0x92: {  	s4 =	sld [smem:$0x3FD0];
	(tm) =	ssettm $0x1  }
0x93: {  	s5 =	sld [smem:$0x3FFB];
	_ =	sdelay $0x3  }
0x94: {  	_ =	strace s5  }
0x95: {  	s5 =	sld [smem:$0x3FFC];
	_ =	sdelay $0x3  }
0x96: {  	_ =	strace s5  }
0x97: {  	s5 =	sld [smem:$0x3FFD];
	_ =	sdelay $0x3  }
0x98: {  	_ =	strace s5  }
0x99: {  	_ =	strace $0x8FFFFFFF  }
0x9a: {  	s19 =	sld [smem:$0x3FDB];
	_ =	sdelay $0x1  }
0x9b: {  	s6 =	simm.s32 $_scs_section_size  }
0x9c: {  	s7 =	simm.s32 $_size__tile_overlayer_lowered;
	s8 =	simm.s32 $_tile_overlayer_lowered  }
0x9d: {  	s22 =	simm.s32 $0x1BFF;
	s21 =	sshll.u32 s8, $0x1;
	s5 =	sadd.s32 s6, s19  }
0x9e: {  	s9 =	simm.s32 $0x0;
	s20 =	sshll.u32 s7, $0x1;
	s7 =	sadd.s32 s21, s5  }
0x9f: {  	[timem:s9], [sflag:s22] =	dma.local [hbm:s7], s20  }
0xa0: {  	_ =	swait.ge [sflag:s22], s20  }
0xa1: {  	s6 =	ssub.s32 $0x0, s20;
	[sflag:s22] =	ssyncset.done $0x0  }
0xa2: {  	[sflag:s22] =	ssyncadd.s32 s6;
	_ =	sdelay $0x1  }
0xa3: {  	s23 =	simm.s32 $0x1B8B  }
0xa4: {  	_ =	swait.ge [sflag:s23], $0x1  }
0xa5: {  	[sflag:s23] =	ssyncset.done $0x0  }
0xa6: {  	s25 =	simm.s32 $0x1B8E;
	s24 =	sld [smem:$0x3FFE];
	[sflag:s23] =	ssyncadd.s32 $0xFFFFFFFF  }
0xa7: {  	s26 =	simm.s32 $execute0_lowered;
	[smem:$0x3FD2] =	sst s25  }
0xa8: {  	s7 =	sshll.u32 s26, $0x1;
	_ =	strace $0x80000046;
	[dreg:$0x1] =	wrdreg $0xFFFFFFFF  }
0xa9: {  	s28 =	simm.s32 $_size_execute0_lowered;
	s5 =	sadd.s32 s5, s7;
	[dreg:$0x0] =	wrdreg $0x0  }
0xaa: {  	s7 =	sshll.u32 s28, $0x1;
	[dreg:$0x2] =	wrdreg s5  }
0xab: {  	[dreg:$0x3] =	wrdreg s7  }
0xac: {  	[dreg:$0x4] =	wrdreg $0xC0  }
0xad: {  	_ =	task [dreg:s9], $0x5FFFF  }
0xae: {  	[dreg:$0x1] =	wrdreg $0xFFFFFFFF  }
0xaf: {  	[dreg:$0x0] =	wrdreg $0x60  }
0xb0: {  	[dreg:$0x2] =	wrdreg s2  }
0xb1: {  	[dreg:$0x3] =	wrdreg s18  }
0xb2: {  	[dreg:$0x4] =	wrdreg s4  }
0xb3: {  	[dreg:$0x5] =	wrdreg s24  }
0xb4: {  	[dreg:$0x6] =	wrdreg $0x104800  }
0xb5: {  	[dreg:$0x7] =	wrdreg $0x118800  }
0xb6: {  	[dreg:$0x8] =	wrdreg $0x12C800  }
0xb7: {  	[dreg:$0x9] =	wrdreg $0x9  }
0xb8: {  	_ =	task.clear_ibuf [dreg:s9], $0xAFFFF;
	_ =	strace $0x90000046  }
0xb9: {  	s29 =	simm.s32 $0x9;
	_ =	strace $0x80000048  }
0xba: {  	_ =	swait.ge [sflag:s29], $0x1  }
0xbb: {  	[sflag:s29] =	ssyncadd.s32 $0xFFFFFFFF  }
0xbc: {  	_ =	strace $0x90000048  }
0xbd: {  	_ =	sfence  }
0xbe: {  	s30 =	sld [smem:$0x0];
	_ =	sdelay $0x2  }
0xbf: {  	s31 =	sshll.u32 s1, $0xD;
	s1 =	sshrl.u32 s1, $0x2  }
0xc0: {  	s3 =	sand.u32 $0x4000, s31;
	s1 =	sadd.s32 s1, s30  }
0xc1: {  	s0 =	sor.u32 s3, s0;
	s1 =	sshll.u32 s1, $0x11  }
0xc2: {  	s0 =	sor.u32 s1, s0  }
0xc3: {  	s0 =	sadd.s32 $0x8F2B, s0  }
0xc4: {  	[sflag:s0] =	ssyncadd.remote.s32 $0x1  }
0xc5: {  	_ =	sfence.sel $0xFFFF  }
0xc6: {  	[dreg:$0x0] =	wrdreg $0xFFFFFFFF;
	(pc) =	sbr.abs _section_cstart, $3  }
0xc7: {  	[dreg:$0x1] =	wrdreg $0xFFFFFFFF  }
0xc8: {  	_ =	task.clear_ibuf [dreg:s9], $0x2FFFF;
	_ =	strace $0x9FFFFFFF  }
0xc9: {  	(tm) =	ssettm $0x7FFFFFFF  }
tec
execute0_lowered:
.L_overlay_start_1:
0x0: {  	(tag) =	ssettag $0x1  }
0x1: {  	s0 =	rddreg [dreg:$0x0]  }
0x2: {  	s1 =	rddreg [dreg:$0x1]  }
0x3: {  	s2 =	rddreg [dreg:$0x2]  }
0x4: {  	s4 =	rddreg [dreg:$0x3]  }
0x5: {  	s3 =	rddreg [dreg:$0x4]  }
0x6: {  	s5 =	rddreg [dreg:$0x5];
	s7 =	srdreg.scid  }
0x7: {  	s14 =	stileid.u32;
	s6 =	rddreg [dreg:$0x6]  }
0x8: {  	s16 =	simm.s32 $0xF080;
	s17 =	simm.s32 $0x1;
	s18 =	simm.s32 $0xC800  }
0x9: {  	s19 =	simm.s32 $0x50;
	s20 =	simm.s32 $0xC880;
	s21 =	simm.s32 $0x2800  }
0xa: {  	s22 =	simm.s32 $0x5000;
	s23 =	simm.s32 $0x7800;
	s24 =	simm.s32 $0xA000  }
0xb: {  	s25 =	simm.s32 $0x0;
	s8 =	sand.u32 $0x1, s7;
	s11 =	smul.u32 $0x1400, s14  }
0xc: {  	s26 =	simm.s32 $0x0;
	s7 =	simm.s32 $0x0;
	s9 =	smul.u32 $0x14000, s8  }
0xd: {  	[smem:$0x7FF] =	sst s7;
	s10 =	ssub.s32 $0x2, s8;
	s8 =	sshll.u32 s8, $0x4  }
0xe: {  	_ =	strace $0x80000047;
	s29 =	sshrl.u32 s10, $0x1;
	s9 =	sadd.s32 s11, s9  }
0xf: {  	s8 =	sor.u32 s14, s8;
	s13 =	ssub.s32 s10, s29;
	s12 =	sshrl.u32 s9, $0x3  }
0x10: {  	s8 =	smul.u32 $0x2710, s8;
	s4 =	sadd.s32 s12, s4;
	s2 =	sadd.s32 s2, s12  }
0x11: {  	s10 =	sadd.s32 s11, s5;
	[dreg:$0x8] =	wrdreg s2;
	s30 =	sadd.s32 $0x1000, s4  }
0x12: {  	s9 =	sadd.s32 s11, s3;
	s31 =	sadd.s32 $0x6000, s4;
	[dreg:$0x9] =	wrdreg s30  }
0x13: {  	v0 =	vimm.f32 $0.0e+00;
	v1 =	vimm.f32 $1.000000000e+00;
	s11 =	sadd.s32 s11, s6;
	s15 =	smax.u32 s13, $0x1;
	[dreg:$0xa] =	wrdreg s31  }
.LBB2_1:
0x14: {  	s2 =	simm.s32 $0x0;
	s4 =	simm.s32 $0x200  }
.LBB2_2:
0x15: {  	p0 =	sne.s32 s4, $0x4E00;
	[tilespmem:s2+$0xF0F0] =	vst v0  }
0x16: {  	[tilespmem:s2+$0xF080] =	vst v0  }
0x17: {  	[tilespmem:s2+$0xF090] =	vst v0  }
.Ltmp0:
0x18: {  	[tilespmem:s2+$0xF0A0] =	vst v0;
	(pc) =	sbr.rel @p0 .LBB2_2-.Ltmp0, $4  }
0x19: {  	[tilespmem:s2+$0xF0B0] =	vst v0  }
0x1a: {  	[tilespmem:s2+$0xF0C0] =	vst v0  }
0x1b: {  	[tilespmem:s2+$0xF0D0] =	vst v0  }
0x1c: {  	[tilespmem:s2+$0xF0E0] =	vst v0;
	s2 =	sshra.s32 s4, $0x2;
	s4 =	sadd.s32 $0x200, s4  }
0x1d: {  	[tilespmem:s2+$0xF0F0] =	vst v0  }
0x1e: {  	[tilespmem:s2+$0xF080] =	vst v0  }
0x1f: {  	[tilespmem:s2+$0xF090] =	vst v0  }
0x20: {  	[tilespmem:s2+$0xF0A0] =	vst v0  }
0x21: {  	[tilespmem:s2+$0xF0B0] =	vst v0  }
0x22: {  	[tilespmem:s2+$0xF0C0] =	vst v0  }
0x23: {  	[tilespmem:s2+$0xF0D0] =	vst v0  }
0x24: {  	[tilespmem:s2+$0xF0E0] =	vst v0;
	s2 =	simm.s32 $0x0;
	s4 =	simm.s32 $0x200  }
.LBB2_4:
0x25: {  	p0 =	sne.s32 s4, $0x9E00;
	[tilespmem:s2+$0xC8F0] =	vst v1  }
0x26: {  	[tilespmem:s2+$0xC880] =	vst v1  }
0x27: {  	[tilespmem:s2+$0xC890] =	vst v1  }
.Ltmp1:
0x28: {  	[tilespmem:s2+$0xC8A0] =	vst v1;
	(pc) =	sbr.rel @p0 .LBB2_4-.Ltmp1, $4  }
0x29: {  	[tilespmem:s2+$0xC8B0] =	vst v1  }
0x2a: {  	[tilespmem:s2+$0xC8C0] =	vst v1  }
0x2b: {  	[tilespmem:s2+$0xC8D0] =	vst v1  }
0x2c: {  	[tilespmem:s2+$0xC8E0] =	vst v1;
	s2 =	sshra.s32 s4, $0x2;
	s4 =	sadd.s32 $0x200, s4  }
0x2d: {  	[tilespmem:s2+$0xC8F0] =	vst v1  }
0x2e: {  	[tilespmem:s2+$0xC880] =	vst v1  }
0x2f: {  	[tilespmem:s2+$0xC890] =	vst v1  }
0x30: {  	[tilespmem:s2+$0xC8A0] =	vst v1  }
0x31: {  	[tilespmem:s2+$0xC8B0] =	vst v1  }
0x32: {  	[tilespmem:s2+$0xC8C0] =	vst v1  }
0x33: {  	[tilespmem:s2+$0xC8D0] =	vst v1  }
0x34: {  	[tilespmem:s2+$0xC8E0] =	vst v1  }
0x35: {  	[spmem:s9] =	stream.linear.scatter [tilespmem:s16], [sflag:$0x1], $0x1400, $0x38;
	[tilespmem:$0x14080] =	vst v63  }
0x36: {  	_ =	swait.ge [sflag:s17], $0x1400  }
0x37: {  	[sflag:s17] =	ssyncset.done $0x0  }
0x38: {  	[sflag:s17] =	ssyncadd.s32 $0xFFFFEC00  }
0x39: {  	[spmem:s10] =	stream.linear.scatter [tilespmem:s16], [sflag:$0x1], $0x1400, $0x38;
	[tilespmem:$0x14080] =	vst v63  }
0x3a: {  	_ =	swait.ge [sflag:s17], $0x1400  }
0x3b: {  	[sflag:s17] =	ssyncset.done $0x0  }
0x3c: {  	[sflag:s17] =	ssyncadd.s32 $0xFFFFEC00  }
0x3d: {  	[spmem:s11] =	stream.linear.scatter [tilespmem:s16], [sflag:$0x1], $0x1400, $0x38;
	[tilespmem:$0x14080] =	vst v63  }
0x3e: {  	_ =	swait.ge [sflag:s17], $0x1400  }
0x3f: {  	[sflag:s17] =	ssyncset.done $0x0  }
0x40: {  	[sflag:s17] =	ssyncadd.s32 $0xFFFFEC00  }
0x41: {  	s28 =	simm.s32 $0x0;
	[bflag:$0x0] =	sbarrier.arrive $0xFFFF  }
.LBB2_6:
0x42: {  	s2 =	smul.u32 $0x190, s28;
	_ =	sdelay $0x1  }
0x43: {  	s2 =	sadd.s32 s8, s2  }
0x44: {  	s4 =	sshll.u32 s2, $0x4  }
0x45: {  	s4 =	sadd.s32 s0, s4  }
0x46: {  	[tilespmem:s26], [sflag:$0x1] =	stream.linear.gather [hbm4b:s4+s26], $0xC800, $0x38;
	[tilespmem:$0x14080] =	vst v63  }
0x47: {  	_ =	swait.ge [sflag:s17], $0xC800  }
0x48: {  	s2 =	sshrl.u32 s2, $0x3;
	[sflag:s17] =	ssyncset.done $0x0  }
0x49: {  	s29 =	sadd.s32 s1, s2;
	[sflag:s17] =	ssyncadd.s32 $0xFFFF3800  }
0x4a: {  	[tilespmem:s18], [sflag:$0x1] =	stream.linear.gather [hbm4b:s29+s26], $0x50, $0x38;
	[tilespmem:$0x14080] =	vst v63  }
0x4b: {  	_ =	swait.ge [sflag:s17], $0x50  }
0x4c: {  	[sflag:s17] =	ssyncset.done $0x0  }
0x4d: {  	[sflag:s17] =	ssyncadd.s32 $0xFFFFFFB0  }
0x4e: {  	[spmem:s3] =	stream.indirect.scatter.add.f32 [tilespmem:s26], [sflag:$0x1], $0x80, s18, s19, $0xb8;
	[tilespmem:$0x14080] =	vst v63  }
0x4f: {  	_ =	swait.ge [sflag:s17], $0x2800  }
0x50: {  	[sflag:s17] =	ssyncset.done $0x0  }
0x51: {  	[sflag:s17] =	ssyncadd.s32 $0xFFFFD800  }
0x52: {  	[spmem:s6] =	stream.indirect.scatter.add.f32 [tilespmem:s20], [sflag:$0x1], $0x80, s18, s19, $0xb8;
	[tilespmem:$0x14080] =	vst v63  }
0x53: {  	_ =	swait.ge [sflag:s17], $0x2800  }
0x54: {  	[sflag:s17] =	ssyncset.done $0x0  }
0x55: {  	s30 =	sadd.s32 $0xA, s29;
	[sflag:s17] =	ssyncadd.s32 $0xFFFFD800  }
0x56: {  	[tilespmem:s18], [sflag:$0x1] =	stream.linear.gather [hbm4b:s30+s26], $0x50, $0x38;
	[tilespmem:$0x14080] =	vst v63  }
0x57: {  	_ =	swait.ge [sflag:s17], $0x50  }
0x58: {  	[sflag:s17] =	ssyncset.done $0x0  }
0x59: {  	[sflag:s17] =	ssyncadd.s32 $0xFFFFFFB0  }
0x5a: {  	[spmem:s3] =	stream.indirect.scatter.add.f32 [tilespmem:s21], [sflag:$0x1], $0x80, s18, s19, $0xb8;
	[tilespmem:$0x14080] =	vst v63  }
0x5b: {  	_ =	swait.ge [sflag:s17], $0x2800  }
0x5c: {  	[sflag:s17] =	ssyncset.done $0x0  }
0x5d: {  	[sflag:s17] =	ssyncadd.s32 $0xFFFFD800  }
0x5e: {  	[spmem:s6] =	stream.indirect.scatter.add.f32 [tilespmem:s20], [sflag:$0x1], $0x80, s18, s19, $0xb8;
	[tilespmem:$0x14080] =	vst v63  }
0x5f: {  	_ =	swait.ge [sflag:s17], $0x2800  }
0x60: {  	[sflag:s17] =	ssyncset.done $0x0  }
0x61: {  	s31 =	sadd.s32 $0x14, s29;
	[sflag:s17] =	ssyncadd.s32 $0xFFFFD800  }
0x62: {  	[tilespmem:s18], [sflag:$0x1] =	stream.linear.gather [hbm4b:s31+s26], $0x50, $0x38;
	[tilespmem:$0x14080] =	vst v63  }
0x63: {  	_ =	swait.ge [sflag:s17], $0x50  }
0x64: {  	[sflag:s17] =	ssyncset.done $0x0  }
0x65: {  	[sflag:s17] =	ssyncadd.s32 $0xFFFFFFB0  }
0x66: {  	[spmem:s3] =	stream.indirect.scatter.add.f32 [tilespmem:s22], [sflag:$0x1], $0x80, s18, s19, $0xb8;
	[tilespmem:$0x14080] =	vst v63  }
0x67: {  	_ =	swait.ge [sflag:s17], $0x2800  }
0x68: {  	[sflag:s17] =	ssyncset.done $0x0  }
0x69: {  	[sflag:s17] =	ssyncadd.s32 $0xFFFFD800  }
0x6a: {  	[spmem:s6] =	stream.indirect.scatter.add.f32 [tilespmem:s20], [sflag:$0x1], $0x80, s18, s19, $0xb8;
	[tilespmem:$0x14080] =	vst v63  }
0x6b: {  	_ =	swait.ge [sflag:s17], $0x2800  }
0x6c: {  	[sflag:s17] =	ssyncset.done $0x0  }
0x6d: {  	s4 =	sadd.s32 $0x1E, s29;
	[sflag:s17] =	ssyncadd.s32 $0xFFFFD800  }
0x6e: {  	[tilespmem:s18], [sflag:$0x1] =	stream.linear.gather [hbm4b:s4+s26], $0x50, $0x38;
	[tilespmem:$0x14080] =	vst v63  }
0x6f: {  	_ =	swait.ge [sflag:s17], $0x50  }
0x70: {  	[sflag:s17] =	ssyncset.done $0x0  }
0x71: {  	[sflag:s17] =	ssyncadd.s32 $0xFFFFFFB0  }
0x72: {  	[spmem:s3] =	stream.indirect.scatter.add.f32 [tilespmem:s23], [sflag:$0x1], $0x80, s18, s19, $0xb8;
	[tilespmem:$0x14080] =	vst v63  }
0x73: {  	_ =	swait.ge [sflag:s17], $0x2800  }
0x74: {  	[sflag:s17] =	ssyncset.done $0x0  }
0x75: {  	[sflag:s17] =	ssyncadd.s32 $0xFFFFD800  }
0x76: {  	[spmem:s6] =	stream.indirect.scatter.add.f32 [tilespmem:s20], [sflag:$0x1], $0x80, s18, s19, $0xb8;
	[tilespmem:$0x14080] =	vst v63  }
0x77: {  	_ =	swait.ge [sflag:s17], $0x2800  }
0x78: {  	[sflag:s17] =	ssyncset.done $0x0  }
0x79: {  	s2 =	sadd.s32 $0x28, s29;
	[sflag:s17] =	ssyncadd.s32 $0xFFFFD800  }
0x7a: {  	[tilespmem:s18], [sflag:$0x1] =	stream.linear.gather [hbm4b:s2+s26], $0x50, $0x38;
	[tilespmem:$0x14080] =	vst v63  }
0x7b: {  	_ =	swait.ge [sflag:s17], $0x50  }
0x7c: {  	[sflag:s17] =	ssyncset.done $0x0  }
0x7d: {  	[sflag:s17] =	ssyncadd.s32 $0xFFFFFFB0  }
0x7e: {  	[spmem:s3] =	stream.indirect.scatter.add.f32 [tilespmem:s24], [sflag:$0x1], $0x80, s18, s19, $0xb8;
	[tilespmem:$0x14080] =	vst v63  }
0x7f: {  	_ =	swait.ge [sflag:s17], $0x2800  }
0x80: {  	[sflag:s17] =	ssyncset.done $0x0  }
0x81: {  	[sflag:s17] =	ssyncadd.s32 $0xFFFFD800  }
0x82: {  	[spmem:s6] =	stream.indirect.scatter.add.f32 [tilespmem:s20], [sflag:$0x1], $0x80, s18, s19, $0xb8;
	[tilespmem:$0x14080] =	vst v63  }
0x83: {  	_ =	swait.ge [sflag:s17], $0x2800  }
0x84: {  	[sflag:s17] =	ssyncset.done $0x0  }
0x85: {  	s12 =	simm.s32 $0x0;
	[sflag:s17] =	ssyncadd.s32 $0xFFFFD800  }
0x86: {  	v5 =	vld [tilespmem:s12+$0x0]  }
0x87: {  	v7 =	vld [tilespmem:s12+$0x10]  }
0x88: {  	v6 =	vld [tilespmem:s12+$0x20]  }
0x89: {  	v4 =	vld [tilespmem:s12+$0x30]  }
0x8a: {  	v2 =	vld [tilespmem:s12+$0x40]  }
0x8b: {  	v3 =	vld [tilespmem:s12+$0x50];
	v8 =	vmul.f32 v5, v5  }
0x8c: {  	s13 =	simm.s32 $0x200;
	v7 =	vmul.f32 v7, v7;
	v5 =	vld [tilespmem:s12+$0x60]  }
.LBB2_7:
0x8d: {  	s14 =	sshra.s32 s13, $0x2;
	p0 =	sne.s32 s13, $0x31E00;
	[tilespmem:s12+$0x0] =	vst v8;
	v6 =	vmul.f32 v6, v6;
	v8 =	vld [tilespmem:s12+$0x70]  }
0x8e: {  	v9 =	vld [tilespmem:s14+$0x0];
	[tilespmem:s12+$0x10] =	vst v7;
	v4 =	vmul.f32 v4, v4  }
0x8f: {  	v7 =	vld [tilespmem:s14+$0x10];
	[tilespmem:s12+$0x20] =	vst v6;
	v2 =	vmul.f32 v2, v2  }
.Ltmp2:
0x90: {  	v6 =	vld [tilespmem:s14+$0x20];
	[tilespmem:s12+$0x30] =	vst v4;
	v3 =	vmul.f32 v3, v3;
	(pc) =	sbr.rel @p0 .LBB2_7-.Ltmp2, $4  }
0x91: {  	v4 =	vld [tilespmem:s14+$0x30];
	[tilespmem:s12+$0x40] =	vst v2;
	v5 =	vmul.f32 v5, v5  }
0x92: {  	v2 =	vld [tilespmem:s14+$0x40];
	[tilespmem:s12+$0x50] =	vst v3;
	v10 =	vmul.f32 v8, v8  }
0x93: {  	v8 =	vmul.f32 v9, v9;
	v3 =	vld [tilespmem:s14+$0x50];
	[tilespmem:s12+$0x60] =	vst v5  }
0x94: {  	s13 =	sadd.s32 $0x200, s13;
	v7 =	vmul.f32 v7, v7;
	v5 =	vld [tilespmem:s14+$0x60];
	[tilespmem:s12+$0x70] =	vst v10;
	s12 =	smov.u32 s14  }
0x95: {  	[tilespmem:s12+$0x0] =	vst v8;
	v6 =	vmul.f32 v6, v6;
	v63 =	vld [tilespmem:s12+$0x70]  }
0x96: {  	[tilespmem:s12+$0x10] =	vst v7;
	v4 =	vmul.f32 v4, v4  }
0x97: {  	[tilespmem:s12+$0x20] =	vst v6;
	v2 =	vmul.f32 v2, v2  }
0x98: {  	[tilespmem:s12+$0x30] =	vst v4;
	v3 =	vmul.f32 v3, v3  }
0x99: {  	[tilespmem:s12+$0x40] =	vst v2;
	v2 =	vmul.f32 v5, v5  }
0x9a: {  	[tilespmem:s12+$0x50] =	vst v3;
	v3 =	vmul.f32 v63, v63  }
0x9b: {  	[tilespmem:s12+$0x60] =	vst v2  }
0x9c: {  	[tilespmem:s12+$0x70] =	vst v3  }
0x9d: {  	[tilespmem:s18], [sflag:$0x1] =	stream.linear.gather [hbm4b:s29+s7], $0x50, $0x38;
	[tilespmem:$0x14080] =	vst v63  }
0x9e: {  	_ =	swait.ge [sflag:s17], $0x50  }
0x9f: {  	[sflag:s17] =	ssyncset.done $0x0  }
0xa0: {  	[sflag:s17] =	ssyncadd.s32 $0xFFFFFFB0  }
0xa1: {  	[spmem:s5] =	stream.indirect.scatter.add.f32 [tilespmem:s7], [sflag:$0x1], $0x80, s18, s19, $0xb8;
	[tilespmem:$0x14080] =	vst v63  }
0xa2: {  	_ =	swait.ge [sflag:s17], $0x2800  }
0xa3: {  	[sflag:s17] =	ssyncset.done $0x0  }
0xa4: {  	[sflag:s17] =	ssyncadd.s32 $0xFFFFD800  }
0xa5: {  	[tilespmem:s18], [sflag:$0x1] =	stream.linear.gather [hbm4b:s30+s7], $0x50, $0x38;
	[tilespmem:$0x14080] =	vst v63  }
0xa6: {  	_ =	swait.ge [sflag:s17], $0x50  }
0xa7: {  	[sflag:s17] =	ssyncset.done $0x0  }
0xa8: {  	[sflag:s17] =	ssyncadd.s32 $0xFFFFFFB0  }
0xa9: {  	[spmem:s5] =	stream.indirect.scatter.add.f32 [tilespmem:s21], [sflag:$0x1], $0x80, s18, s19, $0xb8;
	[tilespmem:$0x14080] =	vst v63  }
0xaa: {  	_ =	swait.ge [sflag:s17], $0x2800  }
0xab: {  	[sflag:s17] =	ssyncset.done $0x0  }
0xac: {  	[sflag:s17] =	ssyncadd.s32 $0xFFFFD800  }
0xad: {  	[tilespmem:s18], [sflag:$0x1] =	stream.linear.gather [hbm4b:s31+s7], $0x50, $0x38;
	[tilespmem:$0x14080] =	vst v63  }
0xae: {  	_ =	swait.ge [sflag:s17], $0x50  }
0xaf: {  	[sflag:s17] =	ssyncset.done $0x0  }
0xb0: {  	[sflag:s17] =	ssyncadd.s32 $0xFFFFFFB0  }
0xb1: {  	[spmem:s5] =	stream.indirect.scatter.add.f32 [tilespmem:s22], [sflag:$0x1], $0x80, s18, s19, $0xb8;
	[tilespmem:$0x14080] =	vst v63  }
0xb2: {  	_ =	swait.ge [sflag:s17], $0x2800  }
0xb3: {  	[sflag:s17] =	ssyncset.done $0x0  }
0xb4: {  	[sflag:s17] =	ssyncadd.s32 $0xFFFFD800  }
0xb5: {  	[tilespmem:s18], [sflag:$0x1] =	stream.linear.gather [hbm4b:s4+s7], $0x50, $0x38;
	[tilespmem:$0x14080] =	vst v63  }
0xb6: {  	_ =	swait.ge [sflag:s17], $0x50  }
0xb7: {  	[sflag:s17] =	ssyncset.done $0x0  }
0xb8: {  	[sflag:s17] =	ssyncadd.s32 $0xFFFFFFB0  }
0xb9: {  	[spmem:s5] =	stream.indirect.scatter.add.f32 [tilespmem:s23], [sflag:$0x1], $0x80, s18, s19, $0xb8;
	[tilespmem:$0x14080] =	vst v63  }
0xba: {  	_ =	swait.ge [sflag:s17], $0x2800  }
0xbb: {  	[sflag:s17] =	ssyncset.done $0x0  }
0xbc: {  	[sflag:s17] =	ssyncadd.s32 $0xFFFFD800  }
0xbd: {  	[tilespmem:s18], [sflag:$0x1] =	stream.linear.gather [hbm4b:s2+s7], $0x50, $0x38;
	[tilespmem:$0x14080] =	vst v63  }
0xbe: {  	s28 =	sadd.s32 $0x1, s28;
	_ =	swait.ge [sflag:s17], $0x50  }
0xbf: {  	p0 =	sne.s32 s28, $0x19;
	[sflag:s17] =	ssyncset.done $0x0  }
.Ltmp3:
0xc0: {  	[sflag:s17] =	ssyncadd.s32 $0xFFFFFFB0;
	(pc) =	sbr.rel @p0 .LBB2_6-.Ltmp3, $4  }
0xc1: {  	[spmem:s5] =	stream.indirect.scatter.add.f32 [tilespmem:s24], [sflag:$0x1], $0x80, s18, s19, $0xb8;
	[tilespmem:$0x14080] =	vst v63  }
0xc2: {  	_ =	swait.ge [sflag:s17], $0x2800  }
0xc3: {  	[sflag:s17] =	ssyncset.done $0x0  }
0xc4: {  	[sflag:s17] =	ssyncadd.s32 $0xFFFFD800  }
0xc5: {  	s2 =	stileid.u32  }
0xc6: {  	[bflag:$0x0] =	sbarrier.arrive $0xFFFF;
	s2 =	sshll.u32 s2, $0x6  }
0xc7: {  	s4 =	sshrl.u32 s9, $0x3;
	s12 =	rddreg [dreg:$0x8];
	s2 =	sor.u32 $0x1C01, s2  }
0xc8: {  	[hbm:s12], [sflag:s2] =	dma.local [spmem:s4], $0x280  }
0xc9: {  	_ =	swait.ge [sflag:s17], $0x280  }
0xca: {  	[sflag:s17] =	ssyncset.done $0x0  }
0xcb: {  	s28 =	sshrl.u32 s10, $0x3;
	s29 =	rddreg [dreg:$0x9];
	[sflag:s17] =	ssyncadd.s32 $0xFFFFFD80  }
0xcc: {  	[hbm:s29], [sflag:s2] =	dma.local [spmem:s28], $0x280  }
0xcd: {  	s25 =	sadd.s32 $0x1, s25;
	_ =	swait.ge [sflag:s17], $0x280  }
0xce: {  	s30 =	sshrl.u32 s11, $0x3;
	p0 =	sne.s32 s25, s15;
	[sflag:s17] =	ssyncset.done $0x0  }
.Ltmp4:
0xcf: {  	s31 =	rddreg [dreg:$0xa];
	[sflag:s17] =	ssyncadd.s32 $0xFFFFFD80;
	(pc) =	sbr.rel @p0 .LBB2_1-.Ltmp4, $4  }
0xd0: {  	[hbm:s31], [sflag:s2] =	dma.local [spmem:s30], $0x280  }
0xd1: {  	_ =	swait.ge [sflag:s17], $0x280  }
0xd2: {  	[sflag:s17] =	ssyncset.done $0x0  }
0xd3: {  	[sflag:s17] =	ssyncadd.s32 $0xFFFFFD80  }
0xd4: {  	_ =	sfence.sel $0x180000  }
0xd5: {  	[bflag:$0x0] =	sbarrier.arrive $0xFFFF  }
0xd6: {  	_ =	strace $0x90000047  }
0xd7: {  	s0 =	stileid.u32;
	[bflag:$0x2] =	sbarrier.arrive $0xFFFF  }
0xd8: {  	p0 =	sne.s32 s0, $0x0;
	s0 =	rddreg [dreg:$0x7]  }
0xd9: {  	s0 =	sadd.s32 @!p0 $0x100000, s0  }
0xda: {  	[sflag:s0] =	ssyncadd.tile.s32 @!p0 $0x1;
	_ =	shalt  }
.Lfunc_end2:
_tile_overlayer_lowered:
.L_overlay_start_2:
0xdb: {  	(tag) =	ssettag $0x2  }
0xdc: {  	s0 =	rddreg [dreg:$0x0];
	s2 =	stileid.u32  }
0xdd: {  	s1 =	rddreg [dreg:$0x1];
	p0 =	sne.s32 s2, $0x0  }
0xde: {  	s3 =	rddreg [dreg:$0x2];
	[bflag:$0x3] =	sbarrier.arrive $0xFFFF;
	s2 =	simm.s32 @!p0 $0x1C01  }
0xdf: {  	[timem:s3], [sflag:s2] =	dma.local @!p0 [hbm:s0], s1  }
0xe0: {  	s0 =	simm.s32 @!p0 $0x1  }
0xe1: {  	_ =	swait.ge @!p0 [sflag:s0], s1  }
0xe2: {  	s1 =	ssub.s32 @!p0 $0x0, s1;
	[sflag:s0] =	ssyncset.done @!p0 $0x0  }
0xe3: {  	[sflag:s0] =	ssyncadd.s32 @!p0 s1  }
0xe4: {  	[bflag:$0x3] =	sbarrier.arrive $0xFFFF  }
0xe5: {  	_ =	shalt  }

</sc_bundles>
